<compile_context>
chip_gen: v7x
topology: tpu7x:2x2x1
jax: 0.10.2.dev20260603
libtpu: 0.0.44.dev20260713+nightly
codegen_flags: <defaults>
</compile_context>

<pallas_src>
import jax
import jax.numpy as jnp
from jax.experimental import pallas as pl
from jax.experimental.pallas import tpu as pltpu
from jax.experimental.pallas import tpu_sc as plsc

_TEMP = 0.05
_SHIFT = 1.0 / _TEMP
_LOG2E = 1.4426950408889634
_B = 1024
_D = 128
_N = 100000
_BLK = 20000
_GW = 128


def _stream_body(x_ref, f_ref, s_out_ref, xb_ref, s_ref):
    k = pl.program_id(0)
    nk = pl.num_programs(0)

    @pl.when(k == 0)
    def _():
        x = x_ref[...]
        nrm = jnp.sqrt(jnp.sum(x * x, axis=1, keepdims=True))
        xn = x / jnp.maximum(nrm, 1e-12)
        xb_ref[...] = (xn * (_SHIFT * _LOG2E)).astype(jnp.bfloat16)
        s_ref[...] = jnp.zeros((_B, 1), jnp.float32)

    l2 = jax.lax.dot_general(
        xb_ref[...], f_ref[...].astype(jnp.bfloat16),
        (((1,), (1,)), ((), ())),
        preferred_element_type=jnp.float32)
    s_ref[...] += jnp.sum(jnp.exp2(l2), axis=1, keepdims=True)

    @pl.when(k == nk - 1)
    def _():
        s_out_ref[...] = s_ref[...]


def _combine_body(s_ref, x_ref, g_ref, loss_ref):
    x = x_ref[...]
    nrm = jnp.sqrt(jnp.sum(x * x, axis=1, keepdims=True))
    xn = x / jnp.maximum(nrm, 1e-12)
    tgt = jnp.sum(xn * g_ref[...], axis=1, keepdims=True) * _SHIFT
    lse = jnp.log(s_ref[...])
    loss_ref[...] = jnp.mean(lse - tgt).reshape(1, 1)


def _sc_gather(features, t2d):
    mesh = plsc.VectorSubcoreMesh(core_axis_name="core",
                                  subcore_axis_name="subcore")

    @pl.kernel(out_type=jax.ShapeDtypeStruct((_B, _D), jnp.float32),
               mesh=mesh)
    def gather_kernel(f_hbm, i_hbm, o_hbm):
        def body(i_vmem, o_vmem):
            pltpu.sync_copy(f_hbm.at[i_vmem.at[0]], o_vmem)

        pltpu.emit_pipeline(
            body,
            grid=(_B // _GW,),
            in_specs=[pl.BlockSpec((1, _GW), index_map=lambda i: (0, i))],
            out_specs=[pl.BlockSpec((_GW, _D), index_map=lambda i: (i, 0))],
            core_axis_name=("core", "subcore"),
            dimension_semantics=(pltpu.PARALLEL,),
        )(i_hbm, o_hbm)

    return gather_kernel(features, t2d)


def kernel(inputs, targets, momentum, features):
    del momentum
    t2d = targets.astype(jnp.int32).reshape(1, _B)
    gathered = _sc_gather(features, t2d)

    s = pl.pallas_call(
        _stream_body,
        grid=(_N // _BLK,),
        in_specs=[
            pl.BlockSpec((_B, _D), lambda k: (0, 0)),
            pl.BlockSpec((_BLK, _D), lambda k: (k, 0)),
        ],
        out_specs=pl.BlockSpec((_B, 1), lambda k: (0, 0)),
        out_shape=jax.ShapeDtypeStruct((_B, 1), jnp.float32),
        scratch_shapes=[
            pltpu.VMEM((_B, _D), jnp.bfloat16),
            pltpu.VMEM((_B, 1), jnp.float32),
        ],
    )(inputs, features)

    loss = pl.pallas_call(
        _combine_body,
        out_shape=jax.ShapeDtypeStruct((1, 1), jnp.float32),
    )(s, inputs, gathered)
    return loss[0, 0]

# --- scband reference (transcript-rebuilt; emitter-appended) ---
"""Pipeline reference for scband-cluster-memory-86122684220155 (READ-ONLY COPY).

The authoritative reference and input builder live on the scoring server;
editing this copy changes nothing except your own understanding.
"""

import jax, jax.numpy as jnp
import numpy as np

BATCH = 1024
NUM_FEATURES = 128
NUM_SAMPLES = 100000
TEMP = 0.05


def setup_inputs(seed: int = 0) -> dict:
    key = jax.random.key(seed)
    k1, k2, k3 = jax.random.split(key, 3)
    inputs = jax.random.normal(k1, (BATCH, NUM_FEATURES), dtype=jnp.float32)
    targets = jax.random.randint(k2, (BATCH,), 0, NUM_SAMPLES, dtype=jnp.int32)
    # Cluster memory bank (registered buffer). Initialized to L2-normalized random
    # vectors so the logits/loss are non-degenerate (the torch module starts at zeros
    # and fills it via EMA updates; we materialize a populated bank here).
    features = jax.random.normal(k3, (NUM_SAMPLES, NUM_FEATURES), dtype=jnp.float32)
    features = features / jnp.clip(jnp.linalg.norm(features, axis=1, keepdims=True), 1e-12)
    momentum = 0  # forward arg, unused by the computation (module uses self.momentum)
    return {"inputs": inputs, "targets": targets, "momentum": momentum, "features": features}


def reference(inputs, targets, momentum, features):
    # F.normalize(inputs, dim=1) with eps=1e-12
    norms = jnp.clip(jnp.linalg.norm(inputs, axis=1, keepdims=True), 1e-12)
    x = inputs / norms
    # CM.forward: outputs = inputs.mm(features.t())
    outputs2 = x @ features.T
    # outputs2 /= self.temp
    outputs2 = outputs2 / TEMP
    # F.cross_entropy(outputs2, targets) with mean reduction
    logp = jax.nn.log_softmax(outputs2, axis=1)
    tgt_logp = jnp.take_along_axis(logp, targets[:, None].astype(jnp.int32), axis=1)[:, 0]
    loss = -jnp.mean(tgt_logp)
    return loss

if __name__ == "__main__":
    import jax
    _d = setup_inputs()
    print(jax.jit(kernel)(*tuple(_d.values())))

</pallas_src>

<mosaic_0001>
#map = affine_map<(d0, d1) -> (0, 0)>
module attributes {stable_mosaic.version = 14 : i64} {
  func.func @gather_kernel(%arg0: i32, %arg1: i32, %arg2: memref<100000x128xf32, #tpu.memory_space<hbm>>, %arg3: memref<1x1024xi32, #tpu.memory_space<hbm>>, %arg4: memref<1024x128xf32, #tpu.memory_space<hbm>>) attributes {dimension_semantics = [#tpu.dimension_semantics<core_parallel>, #tpu.dimension_semantics<subcore_parallel>], iteration_bounds = array<i64: 2, 16>, scalar_prefetch = 0 : i64, scratch_operands = 0 : i64, tpu.core_type = #tpu.core_type<sc_vector_subcore>, window_params = [{transform_indices = #map}, {transform_indices = #map}, {transform_indices = #map}]} {
    %mul3A = arith.constant 1 : i32
    %mul3A_0 = arith.muli %arg1, %mul3A : i32
    %add3A = arith.constant 0 : i32
    %add3A_1 = arith.addi %add3A, %mul3A_0 : i32
    %mul3A_2 = arith.constant 16 : i32
    %mul3A_3 = arith.muli %arg0, %mul3A_2 : i32
    %add3A_4 = arith.addi %add3A_1, %mul3A_3 : i32
    %lt3A = arith.constant 8 : i32
    %lt3A_5 = arith.cmpi slt, %add3A_4, %lt3A : i32
    %jit3A = arith.constant 1 : i32
    %jit3A_6 = arith.constant 0 : i32
    %select_n3A = arith.select %lt3A_5, %jit3A, %jit3A_6 : i32
    %lt3A_7 = arith.constant 8 : i32
    %lt3A_8 = arith.cmpi slt, %add3A_4, %lt3A_7 : i32
    %mul3A_9 = arith.muli %add3A_4, %select_n3A : i32
    %mul3A_10 = arith.constant 0 : i32
    %mul3A_11 = arith.muli %add3A_4, %mul3A_10 : i32
    %add3A_12 = arith.constant 8 : i32
    %add3A_13 = arith.addi %mul3A_11, %add3A_12 : i32
    %select_n3A_14 = arith.select %lt3A_8, %mul3A_9, %add3A_13 : i32
    %mul3A_15 = arith.constant 1 : i32
    %mul3A_16 = arith.muli %mul3A_15, %select_n3A : i32
    "tpu.region"() ({
      %run_scoped3A = memref.alloca() : memref<2x1x128xi32, #tpu.memory_space<vmem>>
      %run_scoped3A_17 = tpu.sem_alloc : memref<2x!tpu.dma_semaphore, #tpu.memory_space<semaphore_mem>>
      %run_scoped3A_18 = memref.alloca() : memref<2x128x128xf32, #tpu.memory_space<vmem>>
      %run_scoped3A_19 = tpu.sem_alloc : memref<2x!tpu.dma_semaphore, #tpu.memory_space<semaphore_mem>>
      %gt3A = arith.constant 0 : i32
      %gt3A_20 = arith.cmpi sgt, %mul3A_16, %gt3A : i32
      %convert_element_type3A = arith.extui %gt3A_20 : i1 to i32
      %cond3A = arith.constant 0 : i32
      %cond3A_21 = arith.cmpi ne, %convert_element_type3A, %cond3A : i32
      scf.if %cond3A_21 {
        %mul3A_22 = arith.constant 1 : i32
        %mul3A_23 = arith.muli %mul3A_22, %select_n3A : i32
        %sub3A = arith.constant 1 : i32
        %sub3A_24 = arith.subi %mul3A_23, %sub3A : i32
        %eq3A = arith.constant 0 : i32
        %eq3A_25 = arith.cmpi eq, %sub3A_24, %eq3A : i32
        %add3A_26 = arith.constant 0 : i32
        %add3A_27 = arith.addi %add3A_26, %select_n3A_14 : i32
        %select_n3A_28 = arith.constant true
        %select_n3A_29 = arith.constant 0 : i32
        %select_n3A_30 = arith.constant -1 : i32
        %select_n3A_31 = arith.select %select_n3A_28, %select_n3A_30, %select_n3A_29 : i32
        %eq3A_32 = arith.constant -1 : i32
        %eq3A_33 = arith.cmpi eq, %select_n3A_31, %eq3A_32 : i32
        %sub3A_34 = arith.constant 1 : i32
        %sub3A_35 = arith.subi %select_n3A, %sub3A_34 : i32
        %select_n3A_36 = arith.select %eq3A_33, %sub3A_35, %select_n3A_31 : i32
        %add3A_37 = arith.addi %select_n3A_36, %select_n3A_14 : i32
        %select_n3A_38 = arith.constant true
        %select_n3A_39 = arith.constant 0 : i32
        %select_n3A_40 = arith.constant 1 : i32
        %select_n3A_41 = arith.select %select_n3A_38, %select_n3A_40, %select_n3A_39 : i32
        %eq3A_42 = arith.cmpi eq, %select_n3A_41, %select_n3A : i32
        %select_n3A_43 = arith.constant 0 : i32
        %select_n3A_44 = arith.select %eq3A_42, %select_n3A_43, %select_n3A_41 : i32
        %add3A_45 = arith.addi %select_n3A_44, %select_n3A_14 : i32
        %add3A_46 = arith.constant 1 : i32
        %add3A_47 = arith.addi %select_n3A_44, %add3A_46 : i32
        %select_n3A_48 = arith.constant true
        %select_n3A_49 = arith.select %select_n3A_48, %add3A_47, %select_n3A_44 : i32
        %eq3A_50 = arith.cmpi eq, %select_n3A_49, %select_n3A : i32
        %select_n3A_51 = arith.constant 0 : i32
        %select_n3A_52 = arith.select %eq3A_50, %select_n3A_51, %select_n3A_49 : i32
        %add3A_53 = arith.addi %select_n3A_52, %select_n3A_14 : i32
        "tpu.trace_start"() <{level = 10 : i32, message = "ep_initialize_0"}> : () -> ()
        %rem3A = arith.constant 0 : i32
        %rem3A_54 = arith.constant 2 : i32
        %rem3A_55 = arith.remui %rem3A, %rem3A_54 : i32
        %mul3A_56 = arith.constant 128 : i32
        %mul3A_57 = arith.muli %mul3A_56, %add3A_27 : i32
        %dma_start3A = arith.constant 0 : i32
        %dma_start3A_58 = arith.constant 0 : i32
        %dma_start3A_59 = tpu.memref_slice %run_scoped3A[%rem3A_55, %dma_start3A, %dma_start3A_58] : memref<2x1x128xi32, #tpu.memory_space<vmem>> -> memref<1x1x128xi32, #tpu.memory_space<vmem>>
        %dma_start3A_60 = tpu.memref_squeeze %dma_start3A_59 : memref<1x1x128xi32, #tpu.memory_space<vmem>> -> memref<1x128xi32, #tpu.memory_space<vmem>>
        %dma_start3A_61 = arith.constant 0 : i32
        %dma_start3A_62 = tpu.memref_slice %arg3[%dma_start3A_61, %mul3A_57] : memref<1x1024xi32, #tpu.memory_space<hbm>> -> memref<1x128xi32, #tpu.memory_space<hbm>>
        %dma_start3A_63 = tpu.memref_slice %run_scoped3A_17[%rem3A_55] : memref<2x!tpu.dma_semaphore, #tpu.memory_space<semaphore_mem>> -> memref<1x!tpu.dma_semaphore, #tpu.memory_space<semaphore_mem>>
        %dma_start3A_64 = tpu.memref_squeeze %dma_start3A_63 : memref<1x!tpu.dma_semaphore, #tpu.memory_space<semaphore_mem>> -> memref<!tpu.dma_semaphore, #tpu.memory_space<semaphore_mem>>
        %dma_start3A_65 = arith.constant 0 : i32
        %dma_start3A_66 = arith.constant 0 : i32
        %dma_start3A_67 = tpu.memref_slice %run_scoped3A[%rem3A_55, %dma_start3A_65, %dma_start3A_66] : memref<2x1x128xi32, #tpu.memory_space<vmem>> -> memref<1x1x128xi32, #tpu.memory_space<vmem>>
        %dma_start3A_68 = tpu.memref_squeeze %dma_start3A_67 : memref<1x1x128xi32, #tpu.memory_space<vmem>> -> memref<1x128xi32, #tpu.memory_space<vmem>>
        %dma_start3A_69 = arith.constant 0 : i32
        %dma_start3A_70 = tpu.memref_slice %arg3[%dma_start3A_69, %mul3A_57] : memref<1x1024xi32, #tpu.memory_space<hbm>> -> memref<1x128xi32, #tpu.memory_space<hbm>>
        tpu.enqueue_dma source(%dma_start3A_70 : memref<1x128xi32, #tpu.memory_space<hbm>>) target(%dma_start3A_68 : memref<1x128xi32, #tpu.memory_space<vmem>>) target_semaphore(%dma_start3A_64 : memref<!tpu.dma_semaphore, #tpu.memory_space<semaphore_mem>>)
        %add3A_71 = arith.constant 0 : i32
        %add3A_72 = arith.constant 1 : i32
        %add3A_73 = arith.addi %add3A_71, %add3A_72 : i32
        %select_n3A_74 = arith.constant true
        %select_n3A_75 = arith.constant 0 : i32
        %select_n3A_76 = arith.select %select_n3A_74, %add3A_73, %select_n3A_75 : i32
        %while3A = arith.constant 0 : i32
        %while3A_77 = arith.constant 0 : i32
        %while3A_78 = arith.constant 0 : i32
        %while3A_79 = arith.constant 0 : i32
        %while3A_80 = arith.constant 0 : i32
        "tpu.trace_stop"() : () -> ()
        %while3A_81 = arith.subi %mul3A_16, %while3A : i32
        %while3A_82 = arith.addi %while3A, %while3A_81 : i32
        %while3A_83 = arith.constant 1 : i32
        %while3A_84 = arith.divsi %while3A_81, %while3A_83 : i32
        %while3A_85 = arith.muli %while3A_84, %while3A_83 : i32
        %while3A_86 = arith.addi %while3A, %while3A_85 : i32
        %while3A_87 = arith.constant 1 : i32
        %while3A_88:5 = scf.for %while3A_142 = %while3A to %while3A_86 step %while3A_87 iter_args(%while3A_143 = %select_n3A_76, %while3A_144 = %while3A_77, %while3A_145 = %while3A_78, %while3A_146 = %while3A_79, %while3A_147 = %while3A_80) -> (i32, i32, i32, i32, i32)  : i32 {
          %mul3A_148 = arith.constant 1 : i32
          %mul3A_149 = arith.muli %mul3A_148, %select_n3A : i32
          %eq3A_150 = arith.constant 0 : i32
          %eq3A_151 = arith.cmpi eq, %while3A_142, %eq3A_150 : i32
          %sub3A_152 = arith.constant 1 : i32
          %sub3A_153 = arith.subi %mul3A_149, %sub3A_152 : i32
          %eq3A_154 = arith.cmpi eq, %while3A_142, %sub3A_153 : i32
          %add3A_155 = arith.addi %while3A_147, %select_n3A_14 : i32
          %sub3A_156 = arith.constant 1 : i32
          %sub3A_157 = arith.subi %while3A_147, %sub3A_156 : i32
          %select_n3A_158 = arith.constant true
          %select_n3A_159 = arith.select %select_n3A_158, %sub3A_157, %while3A_147 : i32
          %eq3A_160 = arith.constant -1 : i32
          %eq3A_161 = arith.cmpi eq, %select_n3A_159, %eq3A_160 : i32
          %sub3A_162 = arith.constant 1 : i32
          %sub3A_163 = arith.subi %select_n3A, %sub3A_162 : i32
          %select_n3A_164 = arith.select %eq3A_161, %sub3A_163, %select_n3A_159 : i32
          %add3A_165 = arith.addi %select_n3A_164, %select_n3A_14 : i32
          %add3A_166 = arith.constant 1 : i32
          %add3A_167 = arith.addi %while3A_147, %add3A_166 : i32
          %select_n3A_168 = arith.constant true
          %select_n3A_169 = arith.select %select_n3A_168, %add3A_167, %while3A_147 : i32
          %eq3A_170 = arith.cmpi eq, %select_n3A_169, %select_n3A : i32
          %select_n3A_171 = arith.constant 0 : i32
          %select_n3A_172 = arith.select %eq3A_170, %select_n3A_171, %select_n3A_169 : i32
          %add3A_173 = arith.addi %select_n3A_172, %select_n3A_14 : i32
          %add3A_174 = arith.constant 1 : i32
          %add3A_175 = arith.addi %select_n3A_172, %add3A_174 : i32
          %select_n3A_176 = arith.constant true
          %select_n3A_177 = arith.select %select_n3A_176, %add3A_175, %select_n3A_172 : i32
          %eq3A_178 = arith.cmpi eq, %select_n3A_177, %select_n3A : i32
          %select_n3A_179 = arith.constant 0 : i32
          %select_n3A_180 = arith.select %eq3A_178, %select_n3A_179, %select_n3A_177 : i32
          %add3A_181 = arith.addi %select_n3A_180, %select_n3A_14 : i32
          %ne3A = arith.cmpi ne, %add3A_155, %add3A_173 : i32
          %or3A = arith.constant false
          %or3A_182 = arith.ori %or3A, %ne3A : i1
          %sub3A_183 = arith.constant 2 : i32
          %sub3A_184 = arith.subi %mul3A_149, %sub3A_183 : i32
          %add3A_185 = arith.constant 1 : i32
          %add3A_186 = arith.addi %sub3A_184, %add3A_185 : i32
          %ge3A = arith.cmpi sge, %while3A_142, %add3A_186 : i32
          %not3A = arith.constant true
          %not3A_187 = arith.xori %ge3A, %not3A : i1
          %and3A = arith.andi %or3A_182, %not3A_187 : i1
          %convert_element_type3A_188 = arith.extui %and3A : i1 to i32
          %cond3A_189 = arith.constant 0 : i32
          %cond3A_190 = arith.cmpi ne, %convert_element_type3A_188, %cond3A_189 : i32
          scf.if %cond3A_190 {
            "tpu.trace_start"() <{level = 10 : i32, message = "ep_copy_in"}> : () -> ()
            %rem3A_294 = arith.constant 2 : i32
            %rem3A_295 = arith.remui %while3A_143, %rem3A_294 : i32
            %mul3A_296 = arith.constant 128 : i32
            %mul3A_297 = arith.muli %mul3A_296, %add3A_173 : i32
            %dma_start3A_298 = arith.constant 0 : i32
            %dma_start3A_299 = arith.constant 0 : i32
            %dma_start3A_300 = tpu.memref_slice %run_scoped3A[%rem3A_295, %dma_start3A_298, %dma_start3A_299] : memref<2x1x128xi32, #tpu.memory_space<vmem>> -> memref<1x1x128xi32, #tpu.memory_space<vmem>>
            %dma_start3A_301 = tpu.memref_squeeze %dma_start3A_300 : memref<1x1x128xi32, #tpu.memory_space<vmem>> -> memref<1x128xi32, #tpu.memory_space<vmem>>
            %dma_start3A_302 = arith.constant 0 : i32
            %dma_start3A_303 = tpu.memref_slice %arg3[%dma_start3A_302, %mul3A_297] : memref<1x1024xi32, #tpu.memory_space<hbm>> -> memref<1x128xi32, #tpu.memory_space<hbm>>
            %dma_start3A_304 = tpu.memref_slice %run_scoped3A_17[%rem3A_295] : memref<2x!tpu.dma_semaphore, #tpu.memory_space<semaphore_mem>> -> memref<1x!tpu.dma_semaphore, #tpu.memory_space<semaphore_mem>>
            %dma_start3A_305 = tpu.memref_squeeze %dma_start3A_304 : memref<1x!tpu.dma_semaphore, #tpu.memory_space<semaphore_mem>> -> memref<!tpu.dma_semaphore, #tpu.memory_space<semaphore_mem>>
            %dma_start3A_306 = arith.constant 0 : i32
            %dma_start3A_307 = arith.constant 0 : i32
            %dma_start3A_308 = tpu.memref_slice %run_scoped3A[%rem3A_295, %dma_start3A_306, %dma_start3A_307] : memref<2x1x128xi32, #tpu.memory_space<vmem>> -> memref<1x1x128xi32, #tpu.memory_space<vmem>>
            %dma_start3A_309 = tpu.memref_squeeze %dma_start3A_308 : memref<1x1x128xi32, #tpu.memory_space<vmem>> -> memref<1x128xi32, #tpu.memory_space<vmem>>
            %dma_start3A_310 = arith.constant 0 : i32
            %dma_start3A_311 = tpu.memref_slice %arg3[%dma_start3A_310, %mul3A_297] : memref<1x1024xi32, #tpu.memory_space<hbm>> -> memref<1x128xi32, #tpu.memory_space<hbm>>
            tpu.enqueue_dma source(%dma_start3A_311 : memref<1x128xi32, #tpu.memory_space<hbm>>) target(%dma_start3A_309 : memref<1x128xi32, #tpu.memory_space<vmem>>) target_semaphore(%dma_start3A_305 : memref<!tpu.dma_semaphore, #tpu.memory_space<semaphore_mem>>)
            "tpu.trace_stop"() : () -> ()
          } else {
          }
          %and3A_191 = arith.constant true
          %and3A_192 = arith.andi %and3A, %and3A_191 : i1
          %add3A_193 = arith.constant 1 : i32
          %add3A_194 = arith.addi %while3A_143, %add3A_193 : i32
          %select_n3A_195 = arith.select %and3A_192, %add3A_194, %while3A_143 : i32
          %ne3A_196 = arith.cmpi ne, %add3A_155, %add3A_173 : i32
          %or3A_197 = arith.constant false
          %or3A_198 = arith.ori %or3A_197, %ne3A_196 : i1
          %or3A_199 = arith.constant false
          %or3A_200 = arith.ori %or3A_198, %or3A_199 : i1
          %sub3A_201 = arith.constant 2 : i32
          %sub3A_202 = arith.subi %mul3A_149, %sub3A_201 : i32
          %add3A_203 = arith.constant 1 : i32
          %add3A_204 = arith.addi %sub3A_202, %add3A_203 : i32
          %ge3A_205 = arith.cmpi sge, %while3A_142, %add3A_204 : i32
          %not3A_206 = arith.constant true
          %not3A_207 = arith.xori %ge3A_205, %not3A_206 : i1
          %and3A_208 = arith.andi %or3A_200, %not3A_207 : i1
          %ne3A_209 = arith.cmpi ne, %add3A_155, %add3A_165 : i32
          %or3A_210 = arith.constant false
          %or3A_211 = arith.ori %or3A_210, %ne3A_209 : i1
          %or3A_212 = arith.ori %or3A_211, %eq3A_151 : i1
          %convert_element_type3A_213 = arith.extui %or3A_212 : i1 to i32
          %cond3A_214 = arith.constant 0 : i32
          %cond3A_215 = arith.cmpi ne, %convert_element_type3A_213, %cond3A_214 : i32
          scf.if %cond3A_215 {
            "tpu.trace_start"() <{level = 10 : i32, message = "ep_wait_in"}> : () -> ()
            %mul3A_294 = arith.constant 128 : i32
            %mul3A_295 = arith.muli %mul3A_294, %add3A_155 : i32
            %rem3A_296 = arith.constant 2 : i32
            %rem3A_297 = arith.remui %while3A_144, %rem3A_296 : i32
            %dma_wait3A = arith.constant 0 : i32
            %dma_wait3A_298 = arith.constant 0 : i32
            %dma_wait3A_299 = tpu.memref_slice %run_scoped3A[%rem3A_297, %dma_wait3A, %dma_wait3A_298] : memref<2x1x128xi32, #tpu.memory_space<vmem>> -> memref<1x1x128xi32, #tpu.memory_space<vmem>>
            %dma_wait3A_300 = tpu.memref_squeeze %dma_wait3A_299 : memref<1x1x128xi32, #tpu.memory_space<vmem>> -> memref<1x128xi32, #tpu.memory_space<vmem>>
            %dma_wait3A_301 = arith.constant 0 : i32
            %dma_wait3A_302 = tpu.memref_slice %arg3[%dma_wait3A_301, %mul3A_295] : memref<1x1024xi32, #tpu.memory_space<hbm>> -> memref<1x128xi32, #tpu.memory_space<hbm>>
            %dma_wait3A_303 = tpu.memref_slice %run_scoped3A_17[%rem3A_297] : memref<2x!tpu.dma_semaphore, #tpu.memory_space<semaphore_mem>> -> memref<1x!tpu.dma_semaphore, #tpu.memory_space<semaphore_mem>>
            %dma_wait3A_304 = tpu.memref_squeeze %dma_wait3A_303 : memref<1x!tpu.dma_semaphore, #tpu.memory_space<semaphore_mem>> -> memref<!tpu.dma_semaphore, #tpu.memory_space<semaphore_mem>>
            %dma_wait3A_305 = arith.constant 0 : i32
            %dma_wait3A_306 = arith.constant 0 : i32
            %dma_wait3A_307 = tpu.memref_slice %run_scoped3A[%rem3A_297, %dma_wait3A_305, %dma_wait3A_306] : memref<2x1x128xi32, #tpu.memory_space<vmem>> -> memref<1x1x128xi32, #tpu.memory_space<vmem>>
            %dma_wait3A_308 = tpu.memref_squeeze %dma_wait3A_307 : memref<1x1x128xi32, #tpu.memory_space<vmem>> -> memref<1x128xi32, #tpu.memory_space<vmem>>
            %dma_wait3A_309 = arith.constant 0 : i32
            %dma_wait3A_310 = tpu.memref_slice %arg3[%dma_wait3A_309, %mul3A_295] : memref<1x1024xi32, #tpu.memory_space<hbm>> -> memref<1x128xi32, #tpu.memory_space<hbm>>
            tpu.wait_dma2 semaphore(%dma_wait3A_304 : memref<!tpu.dma_semaphore, #tpu.memory_space<semaphore_mem>>) src(%dma_wait3A_310 : memref<1x128xi32, #tpu.memory_space<hbm>>) dst(%dma_wait3A_308 : memref<1x128xi32, #tpu.memory_space<vmem>>)
            "tpu.trace_stop"() : () -> ()
          } else {
          }
          %ne3A_216 = arith.cmpi ne, %add3A_155, %add3A_165 : i32
          %or3A_217 = arith.constant false
          %or3A_218 = arith.ori %or3A_217, %ne3A_216 : i1
          %or3A_219 = arith.constant false
          %or3A_220 = arith.ori %or3A_218, %or3A_219 : i1
          %or3A_221 = arith.ori %or3A_220, %eq3A_151 : i1
          %convert_element_type3A_222 = arith.extui %or3A_221 : i1 to i32
          %cond3A_223 = arith.constant 0 : i32
          %cond3A_224 = arith.cmpi ne, %convert_element_type3A_222, %cond3A_223 : i32
          scf.if %cond3A_224 {
          } else {
          }
          %rem3A_225 = arith.constant 2 : i32
          %rem3A_226 = arith.remui %while3A_144, %rem3A_225 : i32
          %rem3A_227 = arith.constant 2 : i32
          %rem3A_228 = arith.remui %while3A_145, %rem3A_227 : i32
          %run_scoped3A_229 = arith.constant 0 : i32
          "tpu.trace_start"() <{level = 10 : i32, message = "ep_run_kernel"}> : () -> ()
          "tpu.region"() ({
            %run_scoped3A_294 = tpu.sem_alloc : memref<!tpu.dma_semaphore, #tpu.memory_space<semaphore_mem>>
            %dma_start3A_295 = arith.constant 0 : i32
            %dma_start3A_296 = arith.constant 0 : i32
            %dma_start3A_297 = tpu.memref_slice %run_scoped3A_18[%rem3A_228, %dma_start3A_295, %dma_start3A_296] : memref<2x128x128xf32, #tpu.memory_space<vmem>> -> memref<1x128x128xf32, #tpu.memory_space<vmem>>
            %dma_start3A_298 = tpu.memref_squeeze %dma_start3A_297 : memref<1x128x128xf32, #tpu.memory_space<vmem>> -> memref<128x128xf32, #tpu.memory_space<vmem>>
            %dma_start3A_299 = arith.constant 0 : i32
            %dma_start3A_300 = arith.constant 0 : i32
            %dma_start3A_301 = tpu.memref_slice %run_scoped3A[%rem3A_226, %dma_start3A_299, %dma_start3A_300] : memref<2x1x128xi32, #tpu.memory_space<vmem>> -> memref<1x1x128xi32, #tpu.memory_space<vmem>>
            %dma_start3A_302 = tpu.memref_squeeze %dma_start3A_301 : memref<1x1x128xi32, #tpu.memory_space<vmem>> -> memref<1x128xi32, #tpu.memory_space<vmem>>
            %dma_start3A_303 = arith.constant 0 : i32
            %dma_start3A_304 = tpu.memref_slice %dma_start3A_302[%run_scoped3A_229, %dma_start3A_303] : memref<1x128xi32, #tpu.memory_space<vmem>> -> memref<1x128xi32, #tpu.memory_space<vmem>>
            %dma_start3A_305 = tpu.memref_squeeze %dma_start3A_304 : memref<1x128xi32, #tpu.memory_space<vmem>> -> memref<128xi32, #tpu.memory_space<vmem>>
            %dma_start3A_306 = arith.constant 0 : i32
            %dma_start3A_307 = arith.constant 0 : i32
            %dma_start3A_308 = tpu.memref_slice %arg2[%dma_start3A_306, %dma_start3A_307] : memref<100000x128xf32, #tpu.memory_space<hbm>> -> memref<100000x128xf32, #tpu.memory_space<hbm>>
            tpu.enqueue_indirect_dma source(%dma_start3A_308 : memref<100000x128xf32, #tpu.memory_space<hbm>>) target(%dma_start3A_298 : memref<128x128xf32, #tpu.memory_space<vmem>>) offsets(%dma_start3A_305 : memref<128xi32, #tpu.memory_space<vmem>>) semaphore(%run_scoped3A_294 : memref<!tpu.dma_semaphore, #tpu.memory_space<semaphore_mem>>)
            %dma_wait3A = arith.constant 0 : i32
            %dma_wait3A_309 = arith.constant 0 : i32
            %dma_wait3A_310 = tpu.memref_slice %run_scoped3A_18[%rem3A_228, %dma_wait3A, %dma_wait3A_309] : memref<2x128x128xf32, #tpu.memory_space<vmem>> -> memref<1x128x128xf32, #tpu.memory_space<vmem>>
            %dma_wait3A_311 = tpu.memref_squeeze %dma_wait3A_310 : memref<1x128x128xf32, #tpu.memory_space<vmem>> -> memref<128x128xf32, #tpu.memory_space<vmem>>
            %dma_wait3A_312 = arith.constant 0 : i32
            %dma_wait3A_313 = arith.constant 0 : i32
            %dma_wait3A_314 = tpu.memref_slice %run_scoped3A[%rem3A_226, %dma_wait3A_312, %dma_wait3A_313] : memref<2x1x128xi32, #tpu.memory_space<vmem>> -> memref<1x1x128xi32, #tpu.memory_space<vmem>>
            %dma_wait3A_315 = tpu.memref_squeeze %dma_wait3A_314 : memref<1x1x128xi32, #tpu.memory_space<vmem>> -> memref<1x128xi32, #tpu.memory_space<vmem>>
            %dma_wait3A_316 = arith.constant 0 : i32
            %dma_wait3A_317 = tpu.memref_slice %dma_wait3A_315[%run_scoped3A_229, %dma_wait3A_316] : memref<1x128xi32, #tpu.memory_space<vmem>> -> memref<1x128xi32, #tpu.memory_space<vmem>>
            %dma_wait3A_318 = tpu.memref_squeeze %dma_wait3A_317 : memref<1x128xi32, #tpu.memory_space<vmem>> -> memref<128xi32, #tpu.memory_space<vmem>>
            %dma_wait3A_319 = arith.constant 0 : i32
            %dma_wait3A_320 = arith.constant 0 : i32
            %dma_wait3A_321 = tpu.memref_slice %arg2[%dma_wait3A_319, %dma_wait3A_320] : memref<100000x128xf32, #tpu.memory_space<hbm>> -> memref<100000x128xf32, #tpu.memory_space<hbm>>
            tpu.wait_indirect_dma semaphore(%run_scoped3A_294 : memref<!tpu.dma_semaphore, #tpu.memory_space<semaphore_mem>>) src(%dma_wait3A_321 : memref<100000x128xf32, #tpu.memory_space<hbm>>) dst(%dma_wait3A_311 : memref<128x128xf32, #tpu.memory_space<vmem>>)
            tpu.yield
          }) : () -> ()
          "tpu.trace_stop"() : () -> ()
          %ne3A_230 = arith.cmpi ne, %add3A_155, %add3A_173 : i32
          %or3A_231 = arith.constant false
          %or3A_232 = arith.ori %or3A_231, %ne3A_230 : i1
          %or3A_233 = arith.ori %or3A_232, %eq3A_154 : i1
          %convert_element_type3A_234 = arith.extui %or3A_233 : i1 to i32
          %cond3A_235 = arith.constant 0 : i32
          %cond3A_236 = arith.cmpi ne, %convert_element_type3A_234, %cond3A_235 : i32
          scf.if %cond3A_236 {
          } else {
          }
          %and3A_237 = arith.constant false
          %and3A_238 = arith.andi %or3A_233, %and3A_237 : i1
          %ne3A_239 = arith.cmpi ne, %add3A_155, %add3A_173 : i32
          %or3A_240 = arith.constant false
          %or3A_241 = arith.ori %or3A_240, %ne3A_239 : i1
          %or3A_242 = arith.constant false
          %or3A_243 = arith.ori %or3A_241, %or3A_242 : i1
          %or3A_244 = arith.ori %or3A_243, %eq3A_154 : i1
          %convert_element_type3A_245 = arith.extui %or3A_244 : i1 to i32
          %cond3A_246 = arith.constant 0 : i32
          %cond3A_247 = arith.cmpi ne, %convert_element_type3A_245, %cond3A_246 : i32
          scf.if %cond3A_247 {
            "tpu.trace_start"() <{level = 10 : i32, message = "ep_copy_out"}> : () -> ()
            %rem3A_294 = arith.constant 2 : i32
            %rem3A_295 = arith.remui %while3A_145, %rem3A_294 : i32
            %mul3A_296 = arith.constant 128 : i32
            %mul3A_297 = arith.muli %mul3A_296, %add3A_155 : i32
            %dma_start3A_298 = arith.constant 0 : i32
            %dma_start3A_299 = arith.constant 0 : i32
            %dma_start3A_300 = tpu.memref_slice %run_scoped3A_18[%rem3A_295, %dma_start3A_298, %dma_start3A_299] : memref<2x128x128xf32, #tpu.memory_space<vmem>> -> memref<1x128x128xf32, #tpu.memory_space<vmem>>
            %dma_start3A_301 = tpu.memref_squeeze %dma_start3A_300 : memref<1x128x128xf32, #tpu.memory_space<vmem>> -> memref<128x128xf32, #tpu.memory_space<vmem>>
            %dma_start3A_302 = arith.constant 0 : i32
            %dma_start3A_303 = tpu.memref_slice %arg4[%mul3A_297, %dma_start3A_302] : memref<1024x128xf32, #tpu.memory_space<hbm>> -> memref<128x128xf32, #tpu.memory_space<hbm>>
            %dma_start3A_304 = tpu.memref_slice %run_scoped3A_19[%rem3A_295] : memref<2x!tpu.dma_semaphore, #tpu.memory_space<semaphore_mem>> -> memref<1x!tpu.dma_semaphore, #tpu.memory_space<semaphore_mem>>
            %dma_start3A_305 = tpu.memref_squeeze %dma_start3A_304 : memref<1x!tpu.dma_semaphore, #tpu.memory_space<semaphore_mem>> -> memref<!tpu.dma_semaphore, #tpu.memory_space<semaphore_mem>>
            %dma_start3A_306 = arith.constant 0 : i32
            %dma_start3A_307 = tpu.memref_slice %arg4[%mul3A_297, %dma_start3A_306] : memref<1024x128xf32, #tpu.memory_space<hbm>> -> memref<128x128xf32, #tpu.memory_space<hbm>>
            %dma_start3A_308 = arith.constant 0 : i32
            %dma_start3A_309 = arith.constant 0 : i32
            %dma_start3A_310 = tpu.memref_slice %run_scoped3A_18[%rem3A_295, %dma_start3A_308, %dma_start3A_309] : memref<2x128x128xf32, #tpu.memory_space<vmem>> -> memref<1x128x128xf32, #tpu.memory_space<vmem>>
            %dma_start3A_311 = tpu.memref_squeeze %dma_start3A_310 : memref<1x128x128xf32, #tpu.memory_space<vmem>> -> memref<128x128xf32, #tpu.memory_space<vmem>>
            tpu.enqueue_dma source(%dma_start3A_311 : memref<128x128xf32, #tpu.memory_space<vmem>>) target(%dma_start3A_307 : memref<128x128xf32, #tpu.memory_space<hbm>>) target_semaphore(%dma_start3A_305 : memref<!tpu.dma_semaphore, #tpu.memory_space<semaphore_mem>>)
            "tpu.trace_stop"() : () -> ()
          } else {
          }
          %and3A_248 = arith.constant true
          %and3A_249 = arith.andi %or3A_244, %and3A_248 : i1
          %add3A_250 = arith.constant 1 : i32
          %add3A_251 = arith.addi %while3A_145, %add3A_250 : i32
          %select_n3A_252 = arith.select %and3A_249, %add3A_251, %while3A_145 : i32
          %ne3A_253 = arith.cmpi ne, %add3A_155, %add3A_165 : i32
          %or3A_254 = arith.constant false
          %or3A_255 = arith.ori %or3A_254, %ne3A_253 : i1
          %not3A_256 = arith.constant true
          %not3A_257 = arith.xori %eq3A_151, %not3A_256 : i1
          %and3A_258 = arith.andi %or3A_255, %not3A_257 : i1
          %convert_element_type3A_259 = arith.extui %and3A_258 : i1 to i32
          %cond3A_260 = arith.constant 0 : i32
          %cond3A_261 = arith.cmpi ne, %convert_element_type3A_259, %cond3A_260 : i32
          scf.if %cond3A_261 {
          } else {
          }
          %and3A_262 = arith.constant false
          %and3A_263 = arith.andi %and3A_258, %and3A_262 : i1
          %ne3A_264 = arith.cmpi ne, %add3A_155, %add3A_165 : i32
          %or3A_265 = arith.constant false
          %or3A_266 = arith.ori %or3A_265, %ne3A_264 : i1
          %or3A_267 = arith.constant false
          %or3A_268 = arith.ori %or3A_266, %or3A_267 : i1
          %not3A_269 = arith.constant true
          %not3A_270 = arith.xori %eq3A_151, %not3A_269 : i1
          %and3A_271 = arith.andi %or3A_268, %not3A_270 : i1
          %convert_element_type3A_272 = arith.extui %and3A_271 : i1 to i32
          %cond3A_273 = arith.constant 0 : i32
          %cond3A_274 = arith.cmpi ne, %convert_element_type3A_272, %cond3A_273 : i32
          scf.if %cond3A_274 {
            "tpu.trace_start"() <{level = 10 : i32, message = "ep_wait_out"}> : () -> ()
            %rem3A_294 = arith.constant 2 : i32
            %rem3A_295 = arith.remui %while3A_146, %rem3A_294 : i32
            %mul3A_296 = arith.constant 128 : i32
            %mul3A_297 = arith.muli %mul3A_296, %add3A_165 : i32
            %dma_wait3A = arith.constant 0 : i32
            %dma_wait3A_298 = arith.constant 0 : i32
            %dma_wait3A_299 = tpu.memref_slice %run_scoped3A_18[%rem3A_295, %dma_wait3A, %dma_wait3A_298] : memref<2x128x128xf32, #tpu.memory_space<vmem>> -> memref<1x128x128xf32, #tpu.memory_space<vmem>>
            %dma_wait3A_300 = tpu.memref_squeeze %dma_wait3A_299 : memref<1x128x128xf32, #tpu.memory_space<vmem>> -> memref<128x128xf32, #tpu.memory_space<vmem>>
            %dma_wait3A_301 = arith.constant 0 : i32
            %dma_wait3A_302 = tpu.memref_slice %arg4[%mul3A_297, %dma_wait3A_301] : memref<1024x128xf32, #tpu.memory_space<hbm>> -> memref<128x128xf32, #tpu.memory_space<hbm>>
            %dma_wait3A_303 = tpu.memref_slice %run_scoped3A_19[%rem3A_295] : memref<2x!tpu.dma_semaphore, #tpu.memory_space<semaphore_mem>> -> memref<1x!tpu.dma_semaphore, #tpu.memory_space<semaphore_mem>>
            %dma_wait3A_304 = tpu.memref_squeeze %dma_wait3A_303 : memref<1x!tpu.dma_semaphore, #tpu.memory_space<semaphore_mem>> -> memref<!tpu.dma_semaphore, #tpu.memory_space<semaphore_mem>>
            %dma_wait3A_305 = arith.constant 0 : i32
            %dma_wait3A_306 = tpu.memref_slice %arg4[%mul3A_297, %dma_wait3A_305] : memref<1024x128xf32, #tpu.memory_space<hbm>> -> memref<128x128xf32, #tpu.memory_space<hbm>>
            %dma_wait3A_307 = arith.constant 0 : i32
            %dma_wait3A_308 = arith.constant 0 : i32
            %dma_wait3A_309 = tpu.memref_slice %run_scoped3A_18[%rem3A_295, %dma_wait3A_307, %dma_wait3A_308] : memref<2x128x128xf32, #tpu.memory_space<vmem>> -> memref<1x128x128xf32, #tpu.memory_space<vmem>>
            %dma_wait3A_310 = tpu.memref_squeeze %dma_wait3A_309 : memref<1x128x128xf32, #tpu.memory_space<vmem>> -> memref<128x128xf32, #tpu.memory_space<vmem>>
            tpu.wait_dma2 semaphore(%dma_wait3A_304 : memref<!tpu.dma_semaphore, #tpu.memory_space<semaphore_mem>>) src(%dma_wait3A_310 : memref<128x128xf32, #tpu.memory_space<vmem>>) dst(%dma_wait3A_306 : memref<128x128xf32, #tpu.memory_space<hbm>>)
            "tpu.trace_stop"() : () -> ()
          } else {
          }
          %and3A_275 = arith.constant true
          %and3A_276 = arith.andi %and3A_271, %and3A_275 : i1
          %add3A_277 = arith.constant 1 : i32
          %add3A_278 = arith.addi %while3A_146, %add3A_277 : i32
          %select_n3A_279 = arith.select %and3A_276, %add3A_278, %while3A_146 : i32
          %ne3A_280 = arith.cmpi ne, %add3A_155, %add3A_173 : i32
          %or3A_281 = arith.constant false
          %or3A_282 = arith.ori %or3A_281, %ne3A_280 : i1
          %or3A_283 = arith.ori %or3A_282, %eq3A_154 : i1
          %add3A_284 = arith.constant 1 : i32
          %add3A_285 = arith.addi %while3A_144, %add3A_284 : i32
          %select_n3A_286 = arith.select %or3A_283, %add3A_285, %while3A_144 : i32
          %add3A_287 = arith.constant 1 : i32
          %add3A_288 = arith.addi %while3A_147, %add3A_287 : i32
          %select_n3A_289 = arith.constant true
          %select_n3A_290 = arith.select %select_n3A_289, %add3A_288, %while3A_147 : i32
          %eq3A_291 = arith.cmpi eq, %select_n3A_290, %select_n3A : i32
          %select_n3A_292 = arith.constant 0 : i32
          %select_n3A_293 = arith.select %eq3A_291, %select_n3A_292, %select_n3A_290 : i32
          scf.yield %select_n3A_195, %select_n3A_286, %select_n3A_252, %select_n3A_279, %select_n3A_293 : i32, i32, i32, i32, i32
        }
        %while3A_89 = arith.constant 1 : i32
        %while3A_90:5 = scf.for %while3A_142 = %while3A_86 to %while3A_82 step %while3A_89 iter_args(%while3A_143 = %while3A_88#0, %while3A_144 = %while3A_88#1, %while3A_145 = %while3A_88#2, %while3A_146 = %while3A_88#3, %while3A_147 = %while3A_88#4) -> (i32, i32, i32, i32, i32)  : i32 {
          %mul3A_148 = arith.constant 1 : i32
          %mul3A_149 = arith.muli %mul3A_148, %select_n3A : i32
          %eq3A_150 = arith.constant 0 : i32
          %eq3A_151 = arith.cmpi eq, %while3A_142, %eq3A_150 : i32
          %sub3A_152 = arith.constant 1 : i32
          %sub3A_153 = arith.subi %mul3A_149, %sub3A_152 : i32
          %eq3A_154 = arith.cmpi eq, %while3A_142, %sub3A_153 : i32
          %add3A_155 = arith.addi %while3A_147, %select_n3A_14 : i32
          %sub3A_156 = arith.constant 1 : i32
          %sub3A_157 = arith.subi %while3A_147, %sub3A_156 : i32
          %select_n3A_158 = arith.constant true
          %select_n3A_159 = arith.select %select_n3A_158, %sub3A_157, %while3A_147 : i32
          %eq3A_160 = arith.constant -1 : i32
          %eq3A_161 = arith.cmpi eq, %select_n3A_159, %eq3A_160 : i32
          %sub3A_162 = arith.constant 1 : i32
          %sub3A_163 = arith.subi %select_n3A, %sub3A_162 : i32
          %select_n3A_164 = arith.select %eq3A_161, %sub3A_163, %select_n3A_159 : i32
          %add3A_165 = arith.addi %select_n3A_164, %select_n3A_14 : i32
          %add3A_166 = arith.constant 1 : i32
          %add3A_167 = arith.addi %while3A_147, %add3A_166 : i32
          %select_n3A_168 = arith.constant true
          %select_n3A_169 = arith.select %select_n3A_168, %add3A_167, %while3A_147 : i32
          %eq3A_170 = arith.cmpi eq, %select_n3A_169, %select_n3A : i32
          %select_n3A_171 = arith.constant 0 : i32
          %select_n3A_172 = arith.select %eq3A_170, %select_n3A_171, %select_n3A_169 : i32
          %add3A_173 = arith.addi %select_n3A_172, %select_n3A_14 : i32
          %add3A_174 = arith.constant 1 : i32
          %add3A_175 = arith.addi %select_n3A_172, %add3A_174 : i32
          %select_n3A_176 = arith.constant true
          %select_n3A_177 = arith.select %select_n3A_176, %add3A_175, %select_n3A_172 : i32
          %eq3A_178 = arith.cmpi eq, %select_n3A_177, %select_n3A : i32
          %select_n3A_179 = arith.constant 0 : i32
          %select_n3A_180 = arith.select %eq3A_178, %select_n3A_179, %select_n3A_177 : i32
          %add3A_181 = arith.addi %select_n3A_180, %select_n3A_14 : i32
          %ne3A = arith.cmpi ne, %add3A_155, %add3A_173 : i32
          %or3A = arith.constant false
          %or3A_182 = arith.ori %or3A, %ne3A : i1
          %sub3A_183 = arith.constant 2 : i32
          %sub3A_184 = arith.subi %mul3A_149, %sub3A_183 : i32
          %add3A_185 = arith.constant 1 : i32
          %add3A_186 = arith.addi %sub3A_184, %add3A_185 : i32
          %ge3A = arith.cmpi sge, %while3A_142, %add3A_186 : i32
          %not3A = arith.constant true
          %not3A_187 = arith.xori %ge3A, %not3A : i1
          %and3A = arith.andi %or3A_182, %not3A_187 : i1
          %convert_element_type3A_188 = arith.extui %and3A : i1 to i32
          %cond3A_189 = arith.constant 0 : i32
          %cond3A_190 = arith.cmpi ne, %convert_element_type3A_188, %cond3A_189 : i32
          scf.if %cond3A_190 {
            "tpu.trace_start"() <{level = 10 : i32, message = "ep_copy_in"}> : () -> ()
            %rem3A_294 = arith.constant 2 : i32
            %rem3A_295 = arith.remui %while3A_143, %rem3A_294 : i32
            %mul3A_296 = arith.constant 128 : i32
            %mul3A_297 = arith.muli %mul3A_296, %add3A_173 : i32
            %dma_start3A_298 = arith.constant 0 : i32
            %dma_start3A_299 = arith.constant 0 : i32
            %dma_start3A_300 = tpu.memref_slice %run_scoped3A[%rem3A_295, %dma_start3A_298, %dma_start3A_299] : memref<2x1x128xi32, #tpu.memory_space<vmem>> -> memref<1x1x128xi32, #tpu.memory_space<vmem>>
            %dma_start3A_301 = tpu.memref_squeeze %dma_start3A_300 : memref<1x1x128xi32, #tpu.memory_space<vmem>> -> memref<1x128xi32, #tpu.memory_space<vmem>>
            %dma_start3A_302 = arith.constant 0 : i32
            %dma_start3A_303 = tpu.memref_slice %arg3[%dma_start3A_302, %mul3A_297] : memref<1x1024xi32, #tpu.memory_space<hbm>> -> memref<1x128xi32, #tpu.memory_space<hbm>>
            %dma_start3A_304 = tpu.memref_slice %run_scoped3A_17[%rem3A_295] : memref<2x!tpu.dma_semaphore, #tpu.memory_space<semaphore_mem>> -> memref<1x!tpu.dma_semaphore, #tpu.memory_space<semaphore_mem>>
            %dma_start3A_305 = tpu.memref_squeeze %dma_start3A_304 : memref<1x!tpu.dma_semaphore, #tpu.memory_space<semaphore_mem>> -> memref<!tpu.dma_semaphore, #tpu.memory_space<semaphore_mem>>
            %dma_start3A_306 = arith.constant 0 : i32
            %dma_start3A_307 = arith.constant 0 : i32
            %dma_start3A_308 = tpu.memref_slice %run_scoped3A[%rem3A_295, %dma_start3A_306, %dma_start3A_307] : memref<2x1x128xi32, #tpu.memory_space<vmem>> -> memref<1x1x128xi32, #tpu.memory_space<vmem>>
            %dma_start3A_309 = tpu.memref_squeeze %dma_start3A_308 : memref<1x1x128xi32, #tpu.memory_space<vmem>> -> memref<1x128xi32, #tpu.memory_space<vmem>>
            %dma_start3A_310 = arith.constant 0 : i32
            %dma_start3A_311 = tpu.memref_slice %arg3[%dma_start3A_310, %mul3A_297] : memref<1x1024xi32, #tpu.memory_space<hbm>> -> memref<1x128xi32, #tpu.memory_space<hbm>>
            tpu.enqueue_dma source(%dma_start3A_311 : memref<1x128xi32, #tpu.memory_space<hbm>>) target(%dma_start3A_309 : memref<1x128xi32, #tpu.memory_space<vmem>>) target_semaphore(%dma_start3A_305 : memref<!tpu.dma_semaphore, #tpu.memory_space<semaphore_mem>>)
            "tpu.trace_stop"() : () -> ()
          } else {
          }
          %and3A_191 = arith.constant true
          %and3A_192 = arith.andi %and3A, %and3A_191 : i1
          %add3A_193 = arith.constant 1 : i32
          %add3A_194 = arith.addi %while3A_143, %add3A_193 : i32
          %select_n3A_195 = arith.select %and3A_192, %add3A_194, %while3A_143 : i32
          %ne3A_196 = arith.cmpi ne, %add3A_155, %add3A_173 : i32
          %or3A_197 = arith.constant false
          %or3A_198 = arith.ori %or3A_197, %ne3A_196 : i1
          %or3A_199 = arith.constant false
          %or3A_200 = arith.ori %or3A_198, %or3A_199 : i1
          %sub3A_201 = arith.constant 2 : i32
          %sub3A_202 = arith.subi %mul3A_149, %sub3A_201 : i32
          %add3A_203 = arith.constant 1 : i32
          %add3A_204 = arith.addi %sub3A_202, %add3A_203 : i32
          %ge3A_205 = arith.cmpi sge, %while3A_142, %add3A_204 : i32
          %not3A_206 = arith.constant true
          %not3A_207 = arith.xori %ge3A_205, %not3A_206 : i1
          %and3A_208 = arith.andi %or3A_200, %not3A_207 : i1
          %ne3A_209 = arith.cmpi ne, %add3A_155, %add3A_165 : i32
          %or3A_210 = arith.constant false
          %or3A_211 = arith.ori %or3A_210, %ne3A_209 : i1
          %or3A_212 = arith.ori %or3A_211, %eq3A_151 : i1
          %convert_element_type3A_213 = arith.extui %or3A_212 : i1 to i32
          %cond3A_214 = arith.constant 0 : i32
          %cond3A_215 = arith.cmpi ne, %convert_element_type3A_213, %cond3A_214 : i32
          scf.if %cond3A_215 {
            "tpu.trace_start"() <{level = 10 : i32, message = "ep_wait_in"}> : () -> ()
            %mul3A_294 = arith.constant 128 : i32
            %mul3A_295 = arith.muli %mul3A_294, %add3A_155 : i32
            %rem3A_296 = arith.constant 2 : i32
            %rem3A_297 = arith.remui %while3A_144, %rem3A_296 : i32
            %dma_wait3A = arith.constant 0 : i32
            %dma_wait3A_298 = arith.constant 0 : i32
            %dma_wait3A_299 = tpu.memref_slice %run_scoped3A[%rem3A_297, %dma_wait3A, %dma_wait3A_298] : memref<2x1x128xi32, #tpu.memory_space<vmem>> -> memref<1x1x128xi32, #tpu.memory_space<vmem>>
            %dma_wait3A_300 = tpu.memref_squeeze %dma_wait3A_299 : memref<1x1x128xi32, #tpu.memory_space<vmem>> -> memref<1x128xi32, #tpu.memory_space<vmem>>
            %dma_wait3A_301 = arith.constant 0 : i32
            %dma_wait3A_302 = tpu.memref_slice %arg3[%dma_wait3A_301, %mul3A_295] : memref<1x1024xi32, #tpu.memory_space<hbm>> -> memref<1x128xi32, #tpu.memory_space<hbm>>
            %dma_wait3A_303 = tpu.memref_slice %run_scoped3A_17[%rem3A_297] : memref<2x!tpu.dma_semaphore, #tpu.memory_space<semaphore_mem>> -> memref<1x!tpu.dma_semaphore, #tpu.memory_space<semaphore_mem>>
            %dma_wait3A_304 = tpu.memref_squeeze %dma_wait3A_303 : memref<1x!tpu.dma_semaphore, #tpu.memory_space<semaphore_mem>> -> memref<!tpu.dma_semaphore, #tpu.memory_space<semaphore_mem>>
            %dma_wait3A_305 = arith.constant 0 : i32
            %dma_wait3A_306 = arith.constant 0 : i32
            %dma_wait3A_307 = tpu.memref_slice %run_scoped3A[%rem3A_297, %dma_wait3A_305, %dma_wait3A_306] : memref<2x1x128xi32, #tpu.memory_space<vmem>> -> memref<1x1x128xi32, #tpu.memory_space<vmem>>
            %dma_wait3A_308 = tpu.memref_squeeze %dma_wait3A_307 : memref<1x1x128xi32, #tpu.memory_space<vmem>> -> memref<1x128xi32, #tpu.memory_space<vmem>>
            %dma_wait3A_309 = arith.constant 0 : i32
            %dma_wait3A_310 = tpu.memref_slice %arg3[%dma_wait3A_309, %mul3A_295] : memref<1x1024xi32, #tpu.memory_space<hbm>> -> memref<1x128xi32, #tpu.memory_space<hbm>>
            tpu.wait_dma2 semaphore(%dma_wait3A_304 : memref<!tpu.dma_semaphore, #tpu.memory_space<semaphore_mem>>) src(%dma_wait3A_310 : memref<1x128xi32, #tpu.memory_space<hbm>>) dst(%dma_wait3A_308 : memref<1x128xi32, #tpu.memory_space<vmem>>)
            "tpu.trace_stop"() : () -> ()
          } else {
          }
          %ne3A_216 = arith.cmpi ne, %add3A_155, %add3A_165 : i32
          %or3A_217 = arith.constant false
          %or3A_218 = arith.ori %or3A_217, %ne3A_216 : i1
          %or3A_219 = arith.constant false
          %or3A_220 = arith.ori %or3A_218, %or3A_219 : i1
          %or3A_221 = arith.ori %or3A_220, %eq3A_151 : i1
          %convert_element_type3A_222 = arith.extui %or3A_221 : i1 to i32
          %cond3A_223 = arith.constant 0 : i32
          %cond3A_224 = arith.cmpi ne, %convert_element_type3A_222, %cond3A_223 : i32
          scf.if %cond3A_224 {
          } else {
          }
          %rem3A_225 = arith.constant 2 : i32
          %rem3A_226 = arith.remui %while3A_144, %rem3A_225 : i32
          %rem3A_227 = arith.constant 2 : i32
          %rem3A_228 = arith.remui %while3A_145, %rem3A_227 : i32
          %run_scoped3A_229 = arith.constant 0 : i32
          "tpu.trace_start"() <{level = 10 : i32, message = "ep_run_kernel"}> : () -> ()
          "tpu.region"() ({
            %run_scoped3A_294 = tpu.sem_alloc : memref<!tpu.dma_semaphore, #tpu.memory_space<semaphore_mem>>
            %dma_start3A_295 = arith.constant 0 : i32
            %dma_start3A_296 = arith.constant 0 : i32
            %dma_start3A_297 = tpu.memref_slice %run_scoped3A_18[%rem3A_228, %dma_start3A_295, %dma_start3A_296] : memref<2x128x128xf32, #tpu.memory_space<vmem>> -> memref<1x128x128xf32, #tpu.memory_space<vmem>>
            %dma_start3A_298 = tpu.memref_squeeze %dma_start3A_297 : memref<1x128x128xf32, #tpu.memory_space<vmem>> -> memref<128x128xf32, #tpu.memory_space<vmem>>
            %dma_start3A_299 = arith.constant 0 : i32
            %dma_start3A_300 = arith.constant 0 : i32
            %dma_start3A_301 = tpu.memref_slice %run_scoped3A[%rem3A_226, %dma_start3A_299, %dma_start3A_300] : memref<2x1x128xi32, #tpu.memory_space<vmem>> -> memref<1x1x128xi32, #tpu.memory_space<vmem>>
            %dma_start3A_302 = tpu.memref_squeeze %dma_start3A_301 : memref<1x1x128xi32, #tpu.memory_space<vmem>> -> memref<1x128xi32, #tpu.memory_space<vmem>>
            %dma_start3A_303 = arith.constant 0 : i32
            %dma_start3A_304 = tpu.memref_slice %dma_start3A_302[%run_scoped3A_229, %dma_start3A_303] : memref<1x128xi32, #tpu.memory_space<vmem>> -> memref<1x128xi32, #tpu.memory_space<vmem>>
            %dma_start3A_305 = tpu.memref_squeeze %dma_start3A_304 : memref<1x128xi32, #tpu.memory_space<vmem>> -> memref<128xi32, #tpu.memory_space<vmem>>
            %dma_start3A_306 = arith.constant 0 : i32
            %dma_start3A_307 = arith.constant 0 : i32
            %dma_start3A_308 = tpu.memref_slice %arg2[%dma_start3A_306, %dma_start3A_307] : memref<100000x128xf32, #tpu.memory_space<hbm>> -> memref<100000x128xf32, #tpu.memory_space<hbm>>
            tpu.enqueue_indirect_dma source(%dma_start3A_308 : memref<100000x128xf32, #tpu.memory_space<hbm>>) target(%dma_start3A_298 : memref<128x128xf32, #tpu.memory_space<vmem>>) offsets(%dma_start3A_305 : memref<128xi32, #tpu.memory_space<vmem>>) semaphore(%run_scoped3A_294 : memref<!tpu.dma_semaphore, #tpu.memory_space<semaphore_mem>>)
            %dma_wait3A = arith.constant 0 : i32
            %dma_wait3A_309 = arith.constant 0 : i32
            %dma_wait3A_310 = tpu.memref_slice %run_scoped3A_18[%rem3A_228, %dma_wait3A, %dma_wait3A_309] : memref<2x128x128xf32, #tpu.memory_space<vmem>> -> memref<1x128x128xf32, #tpu.memory_space<vmem>>
            %dma_wait3A_311 = tpu.memref_squeeze %dma_wait3A_310 : memref<1x128x128xf32, #tpu.memory_space<vmem>> -> memref<128x128xf32, #tpu.memory_space<vmem>>
            %dma_wait3A_312 = arith.constant 0 : i32
            %dma_wait3A_313 = arith.constant 0 : i32
            %dma_wait3A_314 = tpu.memref_slice %run_scoped3A[%rem3A_226, %dma_wait3A_312, %dma_wait3A_313] : memref<2x1x128xi32, #tpu.memory_space<vmem>> -> memref<1x1x128xi32, #tpu.memory_space<vmem>>
            %dma_wait3A_315 = tpu.memref_squeeze %dma_wait3A_314 : memref<1x1x128xi32, #tpu.memory_space<vmem>> -> memref<1x128xi32, #tpu.memory_space<vmem>>
            %dma_wait3A_316 = arith.constant 0 : i32
            %dma_wait3A_317 = tpu.memref_slice %dma_wait3A_315[%run_scoped3A_229, %dma_wait3A_316] : memref<1x128xi32, #tpu.memory_space<vmem>> -> memref<1x128xi32, #tpu.memory_space<vmem>>
            %dma_wait3A_318 = tpu.memref_squeeze %dma_wait3A_317 : memref<1x128xi32, #tpu.memory_space<vmem>> -> memref<128xi32, #tpu.memory_space<vmem>>
            %dma_wait3A_319 = arith.constant 0 : i32
            %dma_wait3A_320 = arith.constant 0 : i32
            %dma_wait3A_321 = tpu.memref_slice %arg2[%dma_wait3A_319, %dma_wait3A_320] : memref<100000x128xf32, #tpu.memory_space<hbm>> -> memref<100000x128xf32, #tpu.memory_space<hbm>>
            tpu.wait_indirect_dma semaphore(%run_scoped3A_294 : memref<!tpu.dma_semaphore, #tpu.memory_space<semaphore_mem>>) src(%dma_wait3A_321 : memref<100000x128xf32, #tpu.memory_space<hbm>>) dst(%dma_wait3A_311 : memref<128x128xf32, #tpu.memory_space<vmem>>)
            tpu.yield
          }) : () -> ()
          "tpu.trace_stop"() : () -> ()
          %ne3A_230 = arith.cmpi ne, %add3A_155, %add3A_173 : i32
          %or3A_231 = arith.constant false
          %or3A_232 = arith.ori %or3A_231, %ne3A_230 : i1
          %or3A_233 = arith.ori %or3A_232, %eq3A_154 : i1
          %convert_element_type3A_234 = arith.extui %or3A_233 : i1 to i32
          %cond3A_235 = arith.constant 0 : i32
          %cond3A_236 = arith.cmpi ne, %convert_element_type3A_234, %cond3A_235 : i32
          scf.if %cond3A_236 {
          } else {
          }
          %and3A_237 = arith.constant false
          %and3A_238 = arith.andi %or3A_233, %and3A_237 : i1
          %ne3A_239 = arith.cmpi ne, %add3A_155, %add3A_173 : i32
          %or3A_240 = arith.constant false
          %or3A_241 = arith.ori %or3A_240, %ne3A_239 : i1
          %or3A_242 = arith.constant false
          %or3A_243 = arith.ori %or3A_241, %or3A_242 : i1
          %or3A_244 = arith.ori %or3A_243, %eq3A_154 : i1
          %convert_element_type3A_245 = arith.extui %or3A_244 : i1 to i32
          %cond3A_246 = arith.constant 0 : i32
          %cond3A_247 = arith.cmpi ne, %convert_element_type3A_245, %cond3A_246 : i32
          scf.if %cond3A_247 {
            "tpu.trace_start"() <{level = 10 : i32, message = "ep_copy_out"}> : () -> ()
            %rem3A_294 = arith.constant 2 : i32
            %rem3A_295 = arith.remui %while3A_145, %rem3A_294 : i32
            %mul3A_296 = arith.constant 128 : i32
            %mul3A_297 = arith.muli %mul3A_296, %add3A_155 : i32
            %dma_start3A_298 = arith.constant 0 : i32
            %dma_start3A_299 = arith.constant 0 : i32
            %dma_start3A_300 = tpu.memref_slice %run_scoped3A_18[%rem3A_295, %dma_start3A_298, %dma_start3A_299] : memref<2x128x128xf32, #tpu.memory_space<vmem>> -> memref<1x128x128xf32, #tpu.memory_space<vmem>>
            %dma_start3A_301 = tpu.memref_squeeze %dma_start3A_300 : memref<1x128x128xf32, #tpu.memory_space<vmem>> -> memref<128x128xf32, #tpu.memory_space<vmem>>
            %dma_start3A_302 = arith.constant 0 : i32
            %dma_start3A_303 = tpu.memref_slice %arg4[%mul3A_297, %dma_start3A_302] : memref<1024x128xf32, #tpu.memory_space<hbm>> -> memref<128x128xf32, #tpu.memory_space<hbm>>
            %dma_start3A_304 = tpu.memref_slice %run_scoped3A_19[%rem3A_295] : memref<2x!tpu.dma_semaphore, #tpu.memory_space<semaphore_mem>> -> memref<1x!tpu.dma_semaphore, #tpu.memory_space<semaphore_mem>>
            %dma_start3A_305 = tpu.memref_squeeze %dma_start3A_304 : memref<1x!tpu.dma_semaphore, #tpu.memory_space<semaphore_mem>> -> memref<!tpu.dma_semaphore, #tpu.memory_space<semaphore_mem>>
            %dma_start3A_306 = arith.constant 0 : i32
            %dma_start3A_307 = tpu.memref_slice %arg4[%mul3A_297, %dma_start3A_306] : memref<1024x128xf32, #tpu.memory_space<hbm>> -> memref<128x128xf32, #tpu.memory_space<hbm>>
            %dma_start3A_308 = arith.constant 0 : i32
            %dma_start3A_309 = arith.constant 0 : i32
            %dma_start3A_310 = tpu.memref_slice %run_scoped3A_18[%rem3A_295, %dma_start3A_308, %dma_start3A_309] : memref<2x128x128xf32, #tpu.memory_space<vmem>> -> memref<1x128x128xf32, #tpu.memory_space<vmem>>
            %dma_start3A_311 = tpu.memref_squeeze %dma_start3A_310 : memref<1x128x128xf32, #tpu.memory_space<vmem>> -> memref<128x128xf32, #tpu.memory_space<vmem>>
            tpu.enqueue_dma source(%dma_start3A_311 : memref<128x128xf32, #tpu.memory_space<vmem>>) target(%dma_start3A_307 : memref<128x128xf32, #tpu.memory_space<hbm>>) target_semaphore(%dma_start3A_305 : memref<!tpu.dma_semaphore, #tpu.memory_space<semaphore_mem>>)
            "tpu.trace_stop"() : () -> ()
          } else {
          }
          %and3A_248 = arith.constant true
          %and3A_249 = arith.andi %or3A_244, %and3A_248 : i1
          %add3A_250 = arith.constant 1 : i32
          %add3A_251 = arith.addi %while3A_145, %add3A_250 : i32
          %select_n3A_252 = arith.select %and3A_249, %add3A_251, %while3A_145 : i32
          %ne3A_253 = arith.cmpi ne, %add3A_155, %add3A_165 : i32
          %or3A_254 = arith.constant false
          %or3A_255 = arith.ori %or3A_254, %ne3A_253 : i1
          %not3A_256 = arith.constant true
          %not3A_257 = arith.xori %eq3A_151, %not3A_256 : i1
          %and3A_258 = arith.andi %or3A_255, %not3A_257 : i1
          %convert_element_type3A_259 = arith.extui %and3A_258 : i1 to i32
          %cond3A_260 = arith.constant 0 : i32
          %cond3A_261 = arith.cmpi ne, %convert_element_type3A_259, %cond3A_260 : i32
          scf.if %cond3A_261 {
          } else {
          }
          %and3A_262 = arith.constant false
          %and3A_263 = arith.andi %and3A_258, %and3A_262 : i1
          %ne3A_264 = arith.cmpi ne, %add3A_155, %add3A_165 : i32
          %or3A_265 = arith.constant false
          %or3A_266 = arith.ori %or3A_265, %ne3A_264 : i1
          %or3A_267 = arith.constant false
          %or3A_268 = arith.ori %or3A_266, %or3A_267 : i1
          %not3A_269 = arith.constant true
          %not3A_270 = arith.xori %eq3A_151, %not3A_269 : i1
          %and3A_271 = arith.andi %or3A_268, %not3A_270 : i1
          %convert_element_type3A_272 = arith.extui %and3A_271 : i1 to i32
          %cond3A_273 = arith.constant 0 : i32
          %cond3A_274 = arith.cmpi ne, %convert_element_type3A_272, %cond3A_273 : i32
          scf.if %cond3A_274 {
            "tpu.trace_start"() <{level = 10 : i32, message = "ep_wait_out"}> : () -> ()
            %rem3A_294 = arith.constant 2 : i32
            %rem3A_295 = arith.remui %while3A_146, %rem3A_294 : i32
            %mul3A_296 = arith.constant 128 : i32
            %mul3A_297 = arith.muli %mul3A_296, %add3A_165 : i32
            %dma_wait3A = arith.constant 0 : i32
            %dma_wait3A_298 = arith.constant 0 : i32
            %dma_wait3A_299 = tpu.memref_slice %run_scoped3A_18[%rem3A_295, %dma_wait3A, %dma_wait3A_298] : memref<2x128x128xf32, #tpu.memory_space<vmem>> -> memref<1x128x128xf32, #tpu.memory_space<vmem>>
            %dma_wait3A_300 = tpu.memref_squeeze %dma_wait3A_299 : memref<1x128x128xf32, #tpu.memory_space<vmem>> -> memref<128x128xf32, #tpu.memory_space<vmem>>
            %dma_wait3A_301 = arith.constant 0 : i32
            %dma_wait3A_302 = tpu.memref_slice %arg4[%mul3A_297, %dma_wait3A_301] : memref<1024x128xf32, #tpu.memory_space<hbm>> -> memref<128x128xf32, #tpu.memory_space<hbm>>
            %dma_wait3A_303 = tpu.memref_slice %run_scoped3A_19[%rem3A_295] : memref<2x!tpu.dma_semaphore, #tpu.memory_space<semaphore_mem>> -> memref<1x!tpu.dma_semaphore, #tpu.memory_space<semaphore_mem>>
            %dma_wait3A_304 = tpu.memref_squeeze %dma_wait3A_303 : memref<1x!tpu.dma_semaphore, #tpu.memory_space<semaphore_mem>> -> memref<!tpu.dma_semaphore, #tpu.memory_space<semaphore_mem>>
            %dma_wait3A_305 = arith.constant 0 : i32
            %dma_wait3A_306 = tpu.memref_slice %arg4[%mul3A_297, %dma_wait3A_305] : memref<1024x128xf32, #tpu.memory_space<hbm>> -> memref<128x128xf32, #tpu.memory_space<hbm>>
            %dma_wait3A_307 = arith.constant 0 : i32
            %dma_wait3A_308 = arith.constant 0 : i32
            %dma_wait3A_309 = tpu.memref_slice %run_scoped3A_18[%rem3A_295, %dma_wait3A_307, %dma_wait3A_308] : memref<2x128x128xf32, #tpu.memory_space<vmem>> -> memref<1x128x128xf32, #tpu.memory_space<vmem>>
            %dma_wait3A_310 = tpu.memref_squeeze %dma_wait3A_309 : memref<1x128x128xf32, #tpu.memory_space<vmem>> -> memref<128x128xf32, #tpu.memory_space<vmem>>
            tpu.wait_dma2 semaphore(%dma_wait3A_304 : memref<!tpu.dma_semaphore, #tpu.memory_space<semaphore_mem>>) src(%dma_wait3A_310 : memref<128x128xf32, #tpu.memory_space<vmem>>) dst(%dma_wait3A_306 : memref<128x128xf32, #tpu.memory_space<hbm>>)
            "tpu.trace_stop"() : () -> ()
          } else {
          }
          %and3A_275 = arith.constant true
          %and3A_276 = arith.andi %and3A_271, %and3A_275 : i1
          %add3A_277 = arith.constant 1 : i32
          %add3A_278 = arith.addi %while3A_146, %add3A_277 : i32
          %select_n3A_279 = arith.select %and3A_276, %add3A_278, %while3A_146 : i32
          %ne3A_280 = arith.cmpi ne, %add3A_155, %add3A_173 : i32
          %or3A_281 = arith.constant false
          %or3A_282 = arith.ori %or3A_281, %ne3A_280 : i1
          %or3A_283 = arith.ori %or3A_282, %eq3A_154 : i1
          %add3A_284 = arith.constant 1 : i32
          %add3A_285 = arith.addi %while3A_144, %add3A_284 : i32
          %select_n3A_286 = arith.select %or3A_283, %add3A_285, %while3A_144 : i32
          %add3A_287 = arith.constant 1 : i32
          %add3A_288 = arith.addi %while3A_147, %add3A_287 : i32
          %select_n3A_289 = arith.constant true
          %select_n3A_290 = arith.select %select_n3A_289, %add3A_288, %while3A_147 : i32
          %eq3A_291 = arith.cmpi eq, %select_n3A_290, %select_n3A : i32
          %select_n3A_292 = arith.constant 0 : i32
          %select_n3A_293 = arith.select %eq3A_291, %select_n3A_292, %select_n3A_290 : i32
          scf.yield %select_n3A_195, %select_n3A_286, %select_n3A_252, %select_n3A_279, %select_n3A_293 : i32, i32, i32, i32, i32
        }
        %sub3A_91 = arith.constant 1 : i32
        %sub3A_92 = arith.subi %while3A_90#4, %sub3A_91 : i32
        %select_n3A_93 = arith.constant true
        %select_n3A_94 = arith.select %select_n3A_93, %sub3A_92, %while3A_90#4 : i32
        %eq3A_95 = arith.constant -1 : i32
        %eq3A_96 = arith.cmpi eq, %select_n3A_94, %eq3A_95 : i32
        %sub3A_97 = arith.constant 1 : i32
        %sub3A_98 = arith.subi %select_n3A, %sub3A_97 : i32
        %select_n3A_99 = arith.select %eq3A_96, %sub3A_98, %select_n3A_94 : i32
        %sub3A_100 = arith.constant 1 : i32
        %sub3A_101 = arith.subi %mul3A_16, %sub3A_100 : i32
        %mul3A_102 = arith.constant 1 : i32
        %mul3A_103 = arith.muli %mul3A_102, %select_n3A : i32
        %eq3A_104 = arith.constant 0 : i32
        %eq3A_105 = arith.cmpi eq, %sub3A_101, %eq3A_104 : i32
        %sub3A_106 = arith.constant 1 : i32
        %sub3A_107 = arith.subi %mul3A_103, %sub3A_106 : i32
        %eq3A_108 = arith.cmpi eq, %sub3A_101, %sub3A_107 : i32
        %add3A_109 = arith.addi %select_n3A_99, %select_n3A_14 : i32
        %sub3A_110 = arith.constant 1 : i32
        %sub3A_111 = arith.subi %select_n3A_99, %sub3A_110 : i32
        %select_n3A_112 = arith.constant true
        %select_n3A_113 = arith.select %select_n3A_112, %sub3A_111, %select_n3A_99 : i32
        %eq3A_114 = arith.constant -1 : i32
        %eq3A_115 = arith.cmpi eq, %select_n3A_113, %eq3A_114 : i32
        %sub3A_116 = arith.constant 1 : i32
        %sub3A_117 = arith.subi %select_n3A, %sub3A_116 : i32
        %select_n3A_118 = arith.select %eq3A_115, %sub3A_117, %select_n3A_113 : i32
        %add3A_119 = arith.addi %select_n3A_118, %select_n3A_14 : i32
        %add3A_120 = arith.constant 1 : i32
        %add3A_121 = arith.addi %select_n3A_99, %add3A_120 : i32
        %select_n3A_122 = arith.constant true
        %select_n3A_123 = arith.select %select_n3A_122, %add3A_121, %select_n3A_99 : i32
        %eq3A_124 = arith.cmpi eq, %select_n3A_123, %select_n3A : i32
        %select_n3A_125 = arith.constant 0 : i32
        %select_n3A_126 = arith.select %eq3A_124, %select_n3A_125, %select_n3A_123 : i32
        %add3A_127 = arith.addi %select_n3A_126, %select_n3A_14 : i32
        %add3A_128 = arith.constant 1 : i32
        %add3A_129 = arith.addi %select_n3A_126, %add3A_128 : i32
        %select_n3A_130 = arith.constant true
        %select_n3A_131 = arith.select %select_n3A_130, %add3A_129, %select_n3A_126 : i32
        %eq3A_132 = arith.cmpi eq, %select_n3A_131, %select_n3A : i32
        %select_n3A_133 = arith.constant 0 : i32
        %select_n3A_134 = arith.select %eq3A_132, %select_n3A_133, %select_n3A_131 : i32
        %add3A_135 = arith.addi %select_n3A_134, %select_n3A_14 : i32
        %convert_element_type3A_136 = arith.extui %eq3A_108 : i1 to i32
        %cond3A_137 = arith.constant 0 : i32
        %cond3A_138 = arith.cmpi ne, %convert_element_type3A_136, %cond3A_137 : i32
        scf.if %cond3A_138 {
        } else {
        }
        %convert_element_type3A_139 = arith.extui %eq3A_108 : i1 to i32
        %cond3A_140 = arith.constant 0 : i32
        %cond3A_141 = arith.cmpi ne, %convert_element_type3A_139, %cond3A_140 : i32
        scf.if %cond3A_141 {
          "tpu.trace_start"() <{level = 10 : i32, message = "ep_finalize"}> : () -> ()
          %rem3A_142 = arith.constant 2 : i32
          %rem3A_143 = arith.remui %while3A_90#3, %rem3A_142 : i32
          %mul3A_144 = arith.constant 128 : i32
          %mul3A_145 = arith.muli %mul3A_144, %add3A_109 : i32
          %dma_wait3A = arith.constant 0 : i32
          %dma_wait3A_146 = arith.constant 0 : i32
          %dma_wait3A_147 = tpu.memref_slice %run_scoped3A_18[%rem3A_143, %dma_wait3A, %dma_wait3A_146] : memref<2x128x128xf32, #tpu.memory_space<vmem>> -> memref<1x128x128xf32, #tpu.memory_space<vmem>>
          %dma_wait3A_148 = tpu.memref_squeeze %dma_wait3A_147 : memref<1x128x128xf32, #tpu.memory_space<vmem>> -> memref<128x128xf32, #tpu.memory_space<vmem>>
          %dma_wait3A_149 = arith.constant 0 : i32
          %dma_wait3A_150 = tpu.memref_slice %arg4[%mul3A_145, %dma_wait3A_149] : memref<1024x128xf32, #tpu.memory_space<hbm>> -> memref<128x128xf32, #tpu.memory_space<hbm>>
          %dma_wait3A_151 = tpu.memref_slice %run_scoped3A_19[%rem3A_143] : memref<2x!tpu.dma_semaphore, #tpu.memory_space<semaphore_mem>> -> memref<1x!tpu.dma_semaphore, #tpu.memory_space<semaphore_mem>>
          %dma_wait3A_152 = tpu.memref_squeeze %dma_wait3A_151 : memref<1x!tpu.dma_semaphore, #tpu.memory_space<semaphore_mem>> -> memref<!tpu.dma_semaphore, #tpu.memory_space<semaphore_mem>>
          %dma_wait3A_153 = arith.constant 0 : i32
          %dma_wait3A_154 = tpu.memref_slice %arg4[%mul3A_145, %dma_wait3A_153] : memref<1024x128xf32, #tpu.memory_space<hbm>> -> memref<128x128xf32, #tpu.memory_space<hbm>>
          %dma_wait3A_155 = arith.constant 0 : i32
          %dma_wait3A_156 = arith.constant 0 : i32
          %dma_wait3A_157 = tpu.memref_slice %run_scoped3A_18[%rem3A_143, %dma_wait3A_155, %dma_wait3A_156] : memref<2x128x128xf32, #tpu.memory_space<vmem>> -> memref<1x128x128xf32, #tpu.memory_space<vmem>>
          %dma_wait3A_158 = tpu.memref_squeeze %dma_wait3A_157 : memref<1x128x128xf32, #tpu.memory_space<vmem>> -> memref<128x128xf32, #tpu.memory_space<vmem>>
          tpu.wait_dma2 semaphore(%dma_wait3A_152 : memref<!tpu.dma_semaphore, #tpu.memory_space<semaphore_mem>>) src(%dma_wait3A_158 : memref<128x128xf32, #tpu.memory_space<vmem>>) dst(%dma_wait3A_154 : memref<128x128xf32, #tpu.memory_space<hbm>>)
          "tpu.trace_stop"() : () -> ()
        } else {
        }
      } else {
      }
      tpu.yield
    }) : () -> ()
    return
  }
}

module attributes {stable_mosaic.version = 14 : i64} {
  func.func @_combine_body(%arg0: memref<1024x1xf32, #tpu.memory_space<vmem>>, %arg1: memref<1024x128xf32, #tpu.memory_space<vmem>>, %arg2: memref<1024x128xf32, #tpu.memory_space<vmem>>, %arg3: memref<1x1xf32, #tpu.memory_space<vmem>>) attributes {dimension_semantics = [], scalar_prefetch = 0 : i64, scratch_operands = 0 : i64, tpu.core_type = #tpu.core_type<tc>} {
    %get3A = arith.constant 0 : index
    %get3A_0 = arith.constant 0 : index
    %get3A_1 = vector.load %arg1[%get3A, %get3A_0] : memref<1024x128xf32, #tpu.memory_space<vmem>>, vector<1024x128xf32>
    %mul3A = arith.mulf %get3A_1, %get3A_1 : vector<1024x128xf32>
    %reduce_sum3A = arith.constant dense<0.000000e+00> : vector<1024xf32>
    %reduce_sum3A_2 = vector.multi_reduction <add>, %mul3A, %reduce_sum3A [1] : vector<1024x128xf32> to vector<1024xf32>
    %broadcast_in_dim3A = vector.shape_cast %reduce_sum3A_2 : vector<1024xf32> to vector<1024x1xf32>
    %sqrt3A = math.sqrt %broadcast_in_dim3A : vector<1024x1xf32>
    %max3A = arith.constant 9.99999996E-13 : f32
    %max3A_3 = vector.broadcast %max3A : f32 to vector<1024x1xf32>
    %max3A_4 = arith.maximumf %sqrt3A, %max3A_3 : vector<1024x1xf32>
    %div3A = vector.broadcast %max3A_4 : vector<1024x1xf32> to vector<1024x128xf32>
    %div3A_5 = arith.divf %get3A_1, %div3A : vector<1024x128xf32>
    %get3A_6 = arith.constant 0 : index
    %get3A_7 = arith.constant 0 : index
    %get3A_8 = vector.load %arg2[%get3A_6, %get3A_7] : memref<1024x128xf32, #tpu.memory_space<vmem>>, vector<1024x128xf32>
    %mul3A_9 = arith.mulf %div3A_5, %get3A_8 : vector<1024x128xf32>
    %reduce_sum3A_10 = arith.constant dense<0.000000e+00> : vector<1024xf32>
    %reduce_sum3A_11 = vector.multi_reduction <add>, %mul3A_9, %reduce_sum3A_10 [1] : vector<1024x128xf32> to vector<1024xf32>
    %broadcast_in_dim3A_12 = vector.shape_cast %reduce_sum3A_11 : vector<1024xf32> to vector<1024x1xf32>
    %mul3A_13 = arith.constant 2.000000e+01 : f32
    %mul3A_14 = vector.broadcast %mul3A_13 : f32 to vector<1024x1xf32>
    %mul3A_15 = arith.mulf %broadcast_in_dim3A_12, %mul3A_14 : vector<1024x1xf32>
    %get3A_16 = arith.constant 0 : index
    %get3A_17 = arith.constant 0 : index
    %get3A_18 = vector.load %arg0[%get3A_16, %get3A_17] : memref<1024x1xf32, #tpu.memory_space<vmem>>, vector<1024x1xf32>
    %log3A = math.log %get3A_18 : vector<1024x1xf32>
    %sub3A = arith.subf %log3A, %mul3A_15 : vector<1024x1xf32>
    %reduce_sum3A_19 = vector.shape_cast %sub3A : vector<1024x1xf32> to vector<1x1024x1xf32>
    %reduce_sum3A_20 = arith.constant dense<0.000000e+00> : vector<1xf32>
    %reduce_sum3A_21 = vector.multi_reduction <add>, %reduce_sum3A_19, %reduce_sum3A_20 [1, 2] : vector<1x1024x1xf32> to vector<1xf32>
    %reduce_sum3A_22 = vector.shape_cast %reduce_sum3A_21 : vector<1xf32> to vector<1x1x1xf32>
    %reduce_sum3A_23 = vector.extract %reduce_sum3A_22[0, 0, 0] : f32 from vector<1x1x1xf32>
    %div3A_24 = arith.constant 1.024000e+03 : f32
    %div3A_25 = arith.divf %reduce_sum3A_23, %div3A_24 : f32
    %reshape3A = vector.broadcast %div3A_25 : f32 to vector<1x1xf32>
    %swap3A = arith.constant 0 : index
    %swap3A_26 = arith.constant 0 : index
    %swap3A_27 = vector.load %arg3[%swap3A, %swap3A_26] : memref<1x1xf32, #tpu.memory_space<vmem>>, vector<1x1xf32>
    tpu.vector_store %arg3[%swap3A, %swap3A_26], %reshape3A {strides = array<i32>} : memref<1x1xf32, #tpu.memory_space<vmem>>, vector<1x1xf32>,
    return
  }
}

module attributes {stable_mosaic.version = 14 : i64} {
  func.func @_stream_body(%arg0: i32, %arg1: memref<1024x128xf32, #tpu.memory_space<vmem>>, %arg2: memref<20000x128xf32, #tpu.memory_space<vmem>>, %arg3: memref<1024x1xf32, #tpu.memory_space<vmem>>, %arg4: memref<1024x128xbf16, #tpu.memory_space<vmem>>, %arg5: memref<1024x1xf32, #tpu.memory_space<vmem>>) attributes {dimension_semantics = [#tpu.dimension_semantics<arbitrary>], iteration_bounds = array<i64: 5>, scalar_prefetch = 0 : i64, scratch_operands = 2 : i64, tpu.core_type = #tpu.core_type<tc>, window_params = [{pipeline_mode = #tpu.pipeline_mode<synchronous>, transform_indices = @transform_0, window_bounds = array<i64: 1024, 128>}, {transform_indices = @transform_1, window_bounds = array<i64: 20000, 128>}, {pipeline_mode = #tpu.pipeline_mode<synchronous>, transform_indices = @transform_2, window_bounds = array<i64: 1024, 1>}]} {
    %eq3A = arith.constant 0 : i32
    %eq3A_0 = arith.cmpi eq, %arg0, %eq3A : i32
    %convert_element_type3A = arith.extui %eq3A_0 : i1 to i32
    %cond3A = arith.constant 0 : i32
    %cond3A_1 = arith.cmpi ne, %convert_element_type3A, %cond3A : i32
    scf.if %cond3A_1 {
      %get3A_20 = arith.constant 0 : index
      %get3A_21 = arith.constant 0 : index
      %get3A_22 = vector.load %arg1[%get3A_20, %get3A_21] : memref<1024x128xf32, #tpu.memory_space<vmem>>, vector<1024x128xf32>
      %mul3A = arith.mulf %get3A_22, %get3A_22 : vector<1024x128xf32>
      %reduce_sum3A_23 = arith.constant dense<0.000000e+00> : vector<1024xf32>
      %reduce_sum3A_24 = vector.multi_reduction <add>, %mul3A, %reduce_sum3A_23 [1] : vector<1024x128xf32> to vector<1024xf32>
      %broadcast_in_dim3A_25 = vector.shape_cast %reduce_sum3A_24 : vector<1024xf32> to vector<1024x1xf32>
      %sqrt3A = math.sqrt %broadcast_in_dim3A_25 : vector<1024x1xf32>
      %max3A = arith.constant 9.99999996E-13 : f32
      %max3A_26 = vector.broadcast %max3A : f32 to vector<1024x1xf32>
      %max3A_27 = arith.maximumf %sqrt3A, %max3A_26 : vector<1024x1xf32>
      %div3A = vector.broadcast %max3A_27 : vector<1024x1xf32> to vector<1024x128xf32>
      %div3A_28 = arith.divf %get3A_22, %div3A : vector<1024x128xf32>
      %mul3A_29 = arith.constant 2.885390e+01 : f32
      %mul3A_30 = vector.broadcast %mul3A_29 : f32 to vector<1024x128xf32>
      %mul3A_31 = arith.mulf %div3A_28, %mul3A_30 : vector<1024x128xf32>
      %convert_element_type3A_32 = arith.truncf %mul3A_31 : vector<1024x128xf32> to vector<1024x128xbf16>
      %swap3A_33 = arith.constant 0 : index
      %swap3A_34 = arith.constant 0 : index
      %swap3A_35 = vector.load %arg4[%swap3A_33, %swap3A_34] : memref<1024x128xbf16, #tpu.memory_space<vmem>>, vector<1024x128xbf16>
      tpu.vector_store %arg4[%swap3A_33, %swap3A_34], %convert_element_type3A_32 {strides = array<i32>} : memref<1024x128xbf16, #tpu.memory_space<vmem>>, vector<1024x128xbf16>,
      %broadcast_in_dim3A_36 = arith.constant 0.000000e+00 : f32
      %broadcast_in_dim3A_37 = vector.broadcast %broadcast_in_dim3A_36 : f32 to vector<1024x1xf32>
      %swap3A_38 = arith.constant 0 : index
      %swap3A_39 = arith.constant 0 : index
      %swap3A_40 = vector.load %arg5[%swap3A_38, %swap3A_39] : memref<1024x1xf32, #tpu.memory_space<vmem>>, vector<1024x1xf32>
      tpu.vector_store %arg5[%swap3A_38, %swap3A_39], %broadcast_in_dim3A_37 {strides = array<i32>} : memref<1024x1xf32, #tpu.memory_space<vmem>>, vector<1024x1xf32>,
    } else {
    }
    %get3A = arith.constant 0 : index
    %get3A_2 = arith.constant 0 : index
    %get3A_3 = vector.load %arg4[%get3A, %get3A_2] : memref<1024x128xbf16, #tpu.memory_space<vmem>>, vector<1024x128xbf16>
    %get3A_4 = arith.constant 0 : index
    %get3A_5 = arith.constant 0 : index
    %get3A_6 = vector.load %arg2[%get3A_4, %get3A_5] : memref<20000x128xf32, #tpu.memory_space<vmem>>, vector<20000x128xf32>
    %convert_element_type3A_7 = arith.truncf %get3A_6 : vector<20000x128xf32> to vector<20000x128xbf16>
    %dot_general3A = arith.constant dense<0.000000e+00> : vector<1024x20000xf32>
    %dot_general3A_8 = tpu.matmul %get3A_3, %convert_element_type3A_7, %dot_general3A {dimension_numbers = #tpu.dot_dimension_numbers<[1], [1], [0], [0], [0, 0, 1, 0], [], []>, transpose_lhs_hint = false} : vector<1024x128xbf16>, vector<20000x128xbf16>, vector<1024x20000xf32> -> vector<1024x20000xf32>
    %get3A_9 = arith.constant 0 : index
    %get3A_10 = arith.constant 0 : index
    %get3A_11 = vector.load %arg5[%get3A_9, %get3A_10] : memref<1024x1xf32, #tpu.memory_space<vmem>>, vector<1024x1xf32>
    %exp23A = math.exp2 %dot_general3A_8 : vector<1024x20000xf32>
    %reduce_sum3A = arith.constant dense<0.000000e+00> : vector<1024xf32>
    %reduce_sum3A_12 = vector.multi_reduction <add>, %exp23A, %reduce_sum3A [1] : vector<1024x20000xf32> to vector<1024xf32>
    %broadcast_in_dim3A = vector.shape_cast %reduce_sum3A_12 : vector<1024xf32> to vector<1024x1xf32>
    %add3A = arith.addf %get3A_11, %broadcast_in_dim3A : vector<1024x1xf32>
    %swap3A = arith.constant 0 : index
    %swap3A_13 = arith.constant 0 : index
    %swap3A_14 = vector.load %arg5[%swap3A, %swap3A_13] : memref<1024x1xf32, #tpu.memory_space<vmem>>, vector<1024x1xf32>
    tpu.vector_store %arg5[%swap3A, %swap3A_13], %add3A {strides = array<i32>} : memref<1024x1xf32, #tpu.memory_space<vmem>>, vector<1024x1xf32>,
    %eq3A_15 = arith.constant 4 : i32
    %eq3A_16 = arith.cmpi eq, %arg0, %eq3A_15 : i32
    %convert_element_type3A_17 = arith.extui %eq3A_16 : i1 to i32
    %cond3A_18 = arith.constant 0 : i32
    %cond3A_19 = arith.cmpi ne, %convert_element_type3A_17, %cond3A_18 : i32
    scf.if %cond3A_19 {
      %get3A_20 = arith.constant 0 : index
      %get3A_21 = arith.constant 0 : index
      %get3A_22 = vector.load %arg5[%get3A_20, %get3A_21] : memref<1024x1xf32, #tpu.memory_space<vmem>>, vector<1024x1xf32>
      %swap3A_23 = arith.constant 0 : index
      %swap3A_24 = arith.constant 0 : index
      %swap3A_25 = vector.load %arg3[%swap3A_23, %swap3A_24] : memref<1024x1xf32, #tpu.memory_space<vmem>>, vector<1024x1xf32>
      tpu.vector_store %arg3[%swap3A_23, %swap3A_24], %get3A_22 {strides = array<i32>} : memref<1024x1xf32, #tpu.memory_space<vmem>>, vector<1024x1xf32>,
    } else {
    }
    return
  }
  func.func @transform_0(%arg0: i32) -> (i32, i32) {
    %c0_i32 = arith.constant 0 : i32
    %c0_i32_0 = arith.constant 0 : i32
    %c0_i32_1 = arith.constant 0 : i32
    return %c0_i32, %c0_i32_0 : i32, i32
  }
  func.func @transform_1(%arg0: i32) -> (i32, i32) {
    %c0_i32 = arith.constant 0 : i32
    %c0_i32_0 = arith.constant 0 : i32
    return %arg0, %c0_i32 : i32, i32
  }
  func.func @transform_2(%arg0: i32) -> (i32, i32) {
    %c0_i32 = arith.constant 0 : i32
    %c0_i32_0 = arith.constant 0 : i32
    %c0_i32_1 = arith.constant 0 : i32
    return %c0_i32, %c0_i32_0 : i32, i32
  }
}

</mosaic_0001>

<sc_bundles>
// kernel: kernel.5.cloned.1.call-start
scs
__scs_entry_jumppad:
0x0: {  	(pc) =	sbr.rel $0x88, $3  }
0x1: {  	(tag) =	ssettag $0x0;
	lr =	simm.s32 $0x1  }
0x2: {  	[smem:$0x3F9E] =	sst lr;
	_ =	strace $0xD0000000  }
0x3: {  	_ = 	snop  }
0x4: {  	_ = 	snop  }
0x5: {  	_ = 	snop  }
0x6: {  	_ = 	snop  }
0x7: {  	_ = 	snop  }
__scs_overlays_trampoline_lowered:
0x8: {  	[smem:$0x3FAD] =	sst s0  }
0x9: {  	[smem:$0x3FAE] =	sst s1  }
0xa: {  	[smem:$0x3FAF] =	sst s2  }
0xb: {  	[smem:$0x3FB0] =	sst s3  }
0xc: {  	[smem:$0x3FB1] =	sst s4  }
0xd: {  	[smem:$0x3FB2] =	sst s5  }
0xe: {  	[smem:$0x3FB3] =	sst s6  }
0xf: {  	[smem:$0x3FB4] =	sst s7  }
0x10: {  	[smem:$0x3FB5] =	sst s8  }
0x11: {  	[smem:$0x3FB6] =	sst s9;
	s0 =	simm.s32 @!p0 $0x0  }
0x12: {  	s1 =	sld [smem:$0x3F9C];
	s0 =	simm.s32 @p0 $0x1  }
0x13: {  	[smem:$0x3FB7] =	sst s0;
	s0 =	simm.s32 @!p1 $0x0  }
0x14: {  	s2 =	sld [smem:$0x3F9B];
	s0 =	simm.s32 @p1 $0x1  }
0x15: {  	[smem:$0x3FB8] =	sst s0;
	s0 =	simm.s32 @!p2 $0x0  }
0x16: {  	s3 =	sld [smem:$0x3FDB];
	s0 =	simm.s32 @p2 $0x1  }
0x17: {  	s4 =	simm.s32 $0x1BF5;
	[smem:$0x3FBA] =	sst s0  }
0x18: {  	s0 =	sld [smem:$0x3F9D];
	_ =	swait.ge [sflag:s4], $0x0  }
0x19: {  	s7 =	sld [smem:$0x3F9E]  }
0x1a: {  	s8 =	sadd.s32 $0xFFFFE003, lr  }
0x1b: {  	s9 =	sadd.s32 $0xFFFFFEF7, lr;
	s5 =	simm.s32 $0xFFFFFFFF;
	p2 =	slt.u32 s8, $0xFFFFF086  }
0x1c: {  	p1 =	slt.u32 s9, $0xF7A;
	s5 =	simm.s32 @!p2 $0x0  }
0x1d: {  	s5 =	simm.s32 @p1 $0x1;
	p0 =	seq.s32 s7, s2  }
0x1e: {  	s7 =	smul.u32 @!p0 $0xF7A, s2;
	p2 =	seq.s32 @!p0 s5, $0x0  }
0x1f: {  	s9 =	smul.u32 $0xF7A, s1;
	s8 =	simm.s32 @!p0 $0x1BF5;
	p2 =	por !p2, p0  }
0x20: {  	[sflag:s8] =	ssyncset.s32 @!p0 $0xFFFFF086;
	s6 =	sadd.s32 @!p0 s3, s7;
	s7 =	simm.s32 @!p0 $0x108  }
0x21: {  	s3 =	sadd.s32 s3, s9;
	s6 =	sadd.s32 @!p0 $0x88, s6;
	s7 =	simm.s32 @p2 $0x1082  }
0x22: {  	[simem:s7], [sflag:s8] =	dma.local @!p0 [hbm:s6], $0xF7A  }
0x23: {  	s9 =	sor.u32 $0xD0000000, s2;
	s6 =	simm.s32 $0x108;
	_ =	swait.ge @!p0 [sflag:s8], $0x0  }
0x24: {  	s3 =	sadd.s32 $0x88, s3;
	s6 =	simm.s32 @!p1 $0x1082;
	[sflag:s4] =	ssyncset.s32 $0xFFFFF086  }
0x25: {  	[simem:s6], [sflag:s4] =	dma.local [hbm:s3], $0xF7A  }
0x26: {  	[smem:$0x3F9E] =	sst s1;
	(tag) =	ssettag s2;
	_ =	strace s9  }
0x27: {  	s1 =	sld [smem:$0x3FAE]  }
0x28: {  	s2 =	sld [smem:$0x3FAF]  }
0x29: {  	s4 =	sld [smem:$0x3FB1]  }
0x2a: {  	p0 =	seq.s32 s5, $0x0;
	s5 =	sld [smem:$0x3FB2]  }
0x2b: {  	s6 =	sld [smem:$0x3FB3]  }
0x2c: {  	s7 =	sld [smem:$0x3FB4]  }
0x2d: {  	s3 =	simm.s32 $0x108;
	s8 =	sld [smem:$0x3FB5]  }
0x2e: {  	s3 =	simm.s32 @!p0 $0x1082;
	s9 =	sld [smem:$0x3FB6]  }
0x2f: {  	lr =	sadd.s32 s0, s3;
	s0 =	sld [smem:$0x3FAD]  }
0x30: {  	s3 =	sld [smem:$0x3FB0]  }
0x31: {  	[smem:$0x3FB9] =	sst s10  }
0x32: {  	s10 =	sld [smem:$0x3FB7];
	_ =	sdelay $0x3  }
0x33: {  	p0 =	seq.s32 s10, $0x1;
	s10 =	sld [smem:$0x3FB9];
	_ =	sdelay $0x3  }
0x34: {  	[smem:$0x3FB9] =	sst s10  }
0x35: {  	s10 =	sld [smem:$0x3FB8];
	_ =	sdelay $0x3  }
0x36: {  	p1 =	seq.s32 s10, $0x1;
	s10 =	sld [smem:$0x3FB9];
	_ =	sdelay $0x3  }
0x37: {  	[smem:$0x3FB9] =	sst s10  }
0x38: {  	s10 =	sld [smem:$0x3FBA]  }
0x39: {  	_ = 	snop;
	(pc) =	sbr.ind lr, $3  }
0x3a: {  	_ = 	snop  }
0x3b: {  	_ = 	snop  }
0x3c: {  	p2 =	seq.s32 s10, $0x1;
	s10 =	sld [smem:$0x3FB9]  }
0x3d: {  	_ =	shalt  }
0x3e: {  	_ =	shalt  }
0x3f: {  	_ =	shalt  }
0x40: {  	_ =	shalt  }
0x41: {  	_ =	shalt  }
0x42: {  	_ =	shalt  }
0x43: {  	_ =	shalt  }
0x44: {  	_ =	shalt  }
0x45: {  	_ =	shalt  }
0x46: {  	_ =	shalt  }
0x47: {  	_ =	shalt  }
0x48: {  	_ =	shalt  }
0x49: {  	_ =	shalt  }
0x4a: {  	_ =	shalt  }
0x4b: {  	_ =	shalt  }
0x4c: {  	_ =	shalt  }
0x4d: {  	_ =	shalt  }
0x4e: {  	_ =	shalt  }
0x4f: {  	_ =	shalt  }
0x50: {  	_ =	shalt  }
0x51: {  	_ =	shalt  }
0x52: {  	_ =	shalt  }
0x53: {  	_ =	shalt  }
0x54: {  	_ =	shalt  }
0x55: {  	_ =	shalt  }
0x56: {  	_ =	shalt  }
0x57: {  	_ =	shalt  }
0x58: {  	_ =	shalt  }
0x59: {  	_ =	shalt  }
0x5a: {  	_ =	shalt  }
0x5b: {  	_ =	shalt  }
0x5c: {  	_ =	shalt  }
0x5d: {  	_ =	shalt  }
0x5e: {  	_ =	shalt  }
0x5f: {  	_ =	shalt  }
0x60: {  	_ =	shalt  }
0x61: {  	_ =	shalt  }
0x62: {  	_ =	shalt  }
0x63: {  	_ =	shalt  }
0x64: {  	_ =	shalt  }
0x65: {  	_ =	shalt  }
0x66: {  	_ =	shalt  }
0x67: {  	_ =	shalt  }
0x68: {  	_ =	shalt  }
0x69: {  	_ =	shalt  }
0x6a: {  	_ =	shalt  }
0x6b: {  	_ =	shalt  }
0x6c: {  	_ =	shalt  }
0x6d: {  	_ =	shalt  }
0x6e: {  	_ =	shalt  }
0x6f: {  	_ =	shalt  }
0x70: {  	_ =	shalt  }
0x71: {  	_ =	shalt  }
0x72: {  	_ =	shalt  }
0x73: {  	_ =	shalt  }
0x74: {  	_ =	shalt  }
0x75: {  	_ =	shalt  }
0x76: {  	_ =	shalt  }
0x77: {  	_ =	shalt  }
0x78: {  	_ =	shalt  }
0x79: {  	_ =	shalt  }
0x7a: {  	_ =	shalt  }
0x7b: {  	_ =	shalt  }
0x7c: {  	_ =	shalt  }
0x7d: {  	_ =	shalt  }
0x7e: {  	_ =	shalt  }
0x7f: {  	_ =	shalt  }
0x80: {  	_ =	shalt  }
0x81: {  	_ =	shalt  }
0x82: {  	_ =	shalt  }
0x83: {  	_ =	shalt  }
0x84: {  	_ =	shalt  }
0x85: {  	_ =	shalt  }
0x86: {  	_ =	shalt  }
0x87: {  	_ =	shalt  }
.Lfunc_end0:
.L_simem_size_0:
called_computation_lowered:
.L_overlay_start_0:
0x88: {  	s2 =	sld [smem:$0x3FD9]  }
0x89: {  	s3 =	sld [smem:$0x3FFE];
	_ =	sdelay $0x1  }
0x8a: {  	s1 =	srdreg.scid  }
0x8b: {  	s0 =	sand.u32 $0x1, s1  }
0x8c: {  	s17 =	sshll.u32 s0, $0xA;
	s2 =	sadd.s32 s3, s2  }
0x8d: {  	s2 =	sadd.s32 s2, s17  }
0x8e: {  	[smem:$0x3FC5] =	sst s2  }
0x8f: {  	_ = 	snop  }
0x90: {  	s2 =	sld [smem:$0x3FC8]  }
0x91: {  	s18 =	sld [smem:$0x3FC7];
	(tm) =	ssettm $0x1  }
0x92: {  	s4 =	sld [smem:$0x3FFB];
	_ =	sdelay $0x3  }
0x93: {  	_ =	strace s4  }
0x94: {  	s4 =	sld [smem:$0x3FFC];
	_ =	sdelay $0x3  }
0x95: {  	_ =	strace s4  }
0x96: {  	s4 =	sld [smem:$0x3FFD];
	_ =	sdelay $0x3  }
0x97: {  	_ =	strace s4  }
0x98: {  	_ =	strace $0x8FFFFFFF  }
0x99: {  	s19 =	sld [smem:$0x3FDB];
	_ =	sdelay $0x1  }
0x9a: {  	s5 =	simm.s32 $_scs_section_size  }
0x9b: {  	s6 =	simm.s32 $_size__tile_overlayer_lowered;
	s7 =	simm.s32 $_tile_overlayer_lowered  }
0x9c: {  	s22 =	simm.s32 $0x1BFF;
	s21 =	sshll.u32 s7, $0x1;
	s4 =	sadd.s32 s5, s19  }
0x9d: {  	s8 =	simm.s32 $0x0;
	s20 =	sshll.u32 s6, $0x1;
	s6 =	sadd.s32 s21, s4  }
0x9e: {  	[timem:s8], [sflag:s22] =	dma.local [hbm:s6], s20  }
0x9f: {  	_ =	swait.ge [sflag:s22], s20  }
0xa0: {  	s5 =	ssub.s32 $0x0, s20;
	[sflag:s22] =	ssyncset.done $0x0  }
0xa1: {  	[sflag:s22] =	ssyncadd.s32 s5;
	_ =	sdelay $0x1  }
0xa2: {  	s23 =	simm.s32 $0x1B8B  }
0xa3: {  	_ =	swait.ge [sflag:s23], $0x1  }
0xa4: {  	[sflag:s23] =	ssyncset.done $0x0  }
0xa5: {  	s25 =	simm.s32 $0x1B8E;
	s24 =	sld [smem:$0x3FFE];
	[sflag:s23] =	ssyncadd.s32 $0xFFFFFFFF  }
0xa6: {  	s26 =	simm.s32 $execute0_lowered;
	[smem:$0x3FD2] =	sst s25  }
0xa7: {  	s6 =	sshll.u32 s26, $0x1;
	_ =	strace $0x80000046;
	[dreg:$0x1] =	wrdreg $0xFFFFFFFF  }
0xa8: {  	s28 =	simm.s32 $_size_execute0_lowered;
	s4 =	sadd.s32 s4, s6;
	[dreg:$0x0] =	wrdreg $0x0  }
0xa9: {  	s6 =	sshll.u32 s28, $0x1;
	[dreg:$0x2] =	wrdreg s4  }
0xaa: {  	[dreg:$0x3] =	wrdreg s6  }
0xab: {  	[dreg:$0x4] =	wrdreg $0xC0  }
0xac: {  	_ =	task [dreg:s8], $0x5FFFF  }
0xad: {  	[dreg:$0x1] =	wrdreg $0xFFFFFFFF  }
0xae: {  	[dreg:$0x0] =	wrdreg $0x60  }
0xaf: {  	[dreg:$0x2] =	wrdreg s18  }
0xb0: {  	[dreg:$0x3] =	wrdreg s2  }
0xb1: {  	[dreg:$0x4] =	wrdreg s24  }
0xb2: {  	[dreg:$0x5] =	wrdreg $0x9  }
0xb3: {  	_ =	task.clear_ibuf [dreg:s8], $0x6FFFF;
	_ =	strace $0x90000046  }
0xb4: {  	s29 =	simm.s32 $0x9;
	_ =	strace $0x8000004F  }
0xb5: {  	_ =	swait.ge [sflag:s29], $0x1  }
0xb6: {  	[sflag:s29] =	ssyncadd.s32 $0xFFFFFFFF  }
0xb7: {  	_ =	strace $0x9000004F  }
0xb8: {  	_ =	sfence  }
0xb9: {  	s30 =	sld [smem:$0x0];
	_ =	sdelay $0x2  }
0xba: {  	s31 =	sshll.u32 s1, $0xD;
	s1 =	sshrl.u32 s1, $0x2  }
0xbb: {  	s3 =	sand.u32 $0x4000, s31;
	s1 =	sadd.s32 s1, s30  }
0xbc: {  	s0 =	sor.u32 s3, s0;
	s1 =	sshll.u32 s1, $0x11  }
0xbd: {  	s0 =	sor.u32 s1, s0  }
0xbe: {  	s0 =	sadd.s32 $0x8F2B, s0  }
0xbf: {  	[sflag:s0] =	ssyncadd.remote.s32 $0x1  }
0xc0: {  	_ =	sfence.sel $0xFFFF  }
0xc1: {  	[dreg:$0x0] =	wrdreg $0xFFFFFFFF;
	(pc) =	sbr.abs _section_cstart, $3  }
0xc2: {  	[dreg:$0x1] =	wrdreg $0xFFFFFFFF  }
0xc3: {  	_ =	task.clear_ibuf [dreg:s8], $0x2FFFF;
	_ =	strace $0x9FFFFFFF  }
0xc4: {  	(tm) =	ssettm $0x7FFFFFFF  }
0xc5: {  	_ =	shalt  }
tec
execute0_lowered:
.L_overlay_start_1:
0x0: {  	(tag) =	ssettag $0x1  }
0x1: {  	s0 =	srdreg.scid  }
0x2: {  	s10 =	sand.u32 $0x1, s0  }
0x3: {  	s1 =	stileid.u32;
	s5 =	sshll.u32 s10, $0x4  }
0x4: {  	s5 =	sor.u32 s1, s5  }
0x5: {  	p0 =	sgt.u32 s5, $0x7  }
.Ltmp0:
0x6: {  	s2 =	rddreg [dreg:$0x0];
	(pc) =	sbr.rel @p0 .LBB2_4-.Ltmp0, $4  }
0x7: {  	s4 =	rddreg [dreg:$0x1]  }
0x8: {  	s9 =	rddreg [dreg:$0x2];
	s3 =	simm.s32 $0x0  }
0x9: {  	[smem:$0x7FF] =	sst s3  }
0xa: {  	s0 =	rddreg [dreg:$0x3];
	_ =	strace $0x80000047  }
0xb: {  	s11 =	smin.u32 s5, $0x8  }
0xc: {  	s5 =	sshll.u32 s11, $0x4  }
0xd: {  	_ =	strace $0x80000048;
	s4 =	sadd.s32 s4, s5  }
0xe: {  	[tilespmem:s3], [sflag:$0x1] =	stream.linear.gather [hbm4b:s4+s3], $0x80, $0x200038;
	[tilespmem:$0x8100] =	vst v63  }
0xf: {  	_ =	strace $0x90000048  }
0x10: {  	s5 =	simm.s32 $0x1;
	_ =	strace $0x8000004A  }
0x11: {  	_ =	swait.ge [sflag:s5], $0x80  }
0x12: {  	[sflag:s5] =	ssyncset.done $0x0  }
0x13: {  	[sflag:s5] =	ssyncadd.s32 $0xFFFFFF80  }
0x14: {  	s6 =	simm.s32 $0x80;
	_ =	strace $0x9000004A  }
0x15: {  	s7 =	simm.s32 $0x100;
	s8 =	simm.s32 $0x5;
	_ =	strace $0x8000004B  }
0x16: {  	[tilespmem:s7], [sflag:$0x5] =	stream.indirect.gather [hbm4b:s2+s6], $0x80, s3, s6, $0x2000b8;
	[tilespmem:$0x8100] =	vst v63  }
0x17: {  	s10 =	ssub.s32 $0x2, s10;
	_ =	swait.ge [sflag:s8], $0x4000  }
0x18: {  	s11 =	sshll.u32 s11, $0xB;
	s31 =	sshrl.u32 s10, $0x1;
	[sflag:s8] =	ssyncset.done $0x0  }
0x19: {  	s9 =	sadd.s32 s11, s9;
	s11 =	ssub.s32 s10, s31;
	[sflag:s8] =	ssyncadd.s32 $0xFFFFC000  }
0x1a: {  	s11 =	smax.u32 s11, $0x1;
	_ =	strace $0x9000004B  }
0x1b: {  	s9 =	sadd.s32 $0x800, s9;
	p0 =	sne.s32 s11, $0x1;
	_ =	strace $0x8000004C  }
0x1c: {  	[hbm4b:s9+s3] =	stream.linear.scatter [tilespmem:s7], [sflag:$0x3], $0x4000, $0x200038;
	[tilespmem:$0x8100] =	vst v63  }
.Ltmp1:
0x1d: {  	_ =	strace $0x9000004C;
	(pc) =	sbr.rel @!p0 .LBB2_3-.Ltmp1, $4  }
0x1e: {  	s10 =	simm.s32 $0x3;
	_ =	strace $0x8000004E  }
0x1f: {  	_ =	swait.ge [sflag:s10], $0x4000  }
0x20: {  	[sflag:s10] =	ssyncset.done $0x0  }
0x21: {  	s11 =	sadd.s32 $0xFFFFFFFF, s11;
	[sflag:s10] =	ssyncadd.s32 $0xFFFFC000  }
.LBB2_2:
0x22: {  	p0 =	sne.s32 s11, $0x1;
	s11 =	sadd.s32 $0xFFFFFFFF, s11;
	_ =	strace $0x9000004E  }
0x23: {  	_ =	strace $0x80000048  }
0x24: {  	[tilespmem:s3], [sflag:$0x1] =	stream.linear.gather [hbm4b:s4+s3], $0x80, $0x200038;
	[tilespmem:$0x8100] =	vst v63  }
0x25: {  	_ =	strace $0x90000048  }
0x26: {  	_ =	strace $0x8000004A  }
0x27: {  	_ =	swait.ge [sflag:s5], $0x80  }
0x28: {  	[sflag:s5] =	ssyncset.done $0x0  }
0x29: {  	[sflag:s5] =	ssyncadd.s32 $0xFFFFFF80  }
0x2a: {  	_ =	strace $0x9000004A  }
0x2b: {  	_ =	strace $0x8000004B  }
0x2c: {  	[tilespmem:s7], [sflag:$0x5] =	stream.indirect.gather [hbm4b:s2+s6], $0x80, s3, s6, $0x2000b8;
	[tilespmem:$0x8100] =	vst v63  }
0x2d: {  	_ =	swait.ge [sflag:s8], $0x4000  }
0x2e: {  	[sflag:s8] =	ssyncset.done $0x0  }
0x2f: {  	[sflag:s8] =	ssyncadd.s32 $0xFFFFC000  }
0x30: {  	_ =	strace $0x9000004B  }
0x31: {  	_ =	strace $0x8000004C  }
0x32: {  	[hbm4b:s9+s3] =	stream.linear.scatter [tilespmem:s7], [sflag:$0x3], $0x4000, $0x200038;
	[tilespmem:$0x8100] =	vst v63  }
.Ltmp2:
0x33: {  	_ =	strace $0x9000004C;
	(pc) =	sbr.rel @p0 .LBB2_2-.Ltmp2, $4  }
0x34: {  	_ =	strace $0x8000004E  }
0x35: {  	_ =	swait.ge [sflag:s10], $0x4000  }
0x36: {  	[sflag:s10] =	ssyncset.done $0x0  }
0x37: {  	[sflag:s10] =	ssyncadd.s32 $0xFFFFC000  }
.LBB2_3:
0x38: {  	_ =	strace $0x9000004E  }
.LBB2_4:
0x39: {  	_ =	sfence.sel $0x180000  }
0x3a: {  	[bflag:$0x0] =	sbarrier.arrive $0xFFFF  }
0x3b: {  	p0 =	sne.s32 s1, $0x0;
	_ =	strace $0x90000047  }
0x3c: {  	s0 =	sadd.s32 @!p0 $0x100000, s0;
	[bflag:$0x2] =	sbarrier.arrive $0xFFFF  }
0x3d: {  	[sflag:s0] =	ssyncadd.tile.s32 @!p0 $0x1;
	_ =	shalt  }
.Lfunc_end2:
_tile_overlayer_lowered:
.L_overlay_start_2:
0x3e: {  	(tag) =	ssettag $0x2  }
0x3f: {  	s0 =	rddreg [dreg:$0x0];
	s2 =	stileid.u32  }
0x40: {  	s1 =	rddreg [dreg:$0x1];
	p0 =	sne.s32 s2, $0x0  }
0x41: {  	s3 =	rddreg [dreg:$0x2];
	[bflag:$0x3] =	sbarrier.arrive $0xFFFF;
	s2 =	simm.s32 @!p0 $0x1C01  }
0x42: {  	[timem:s3], [sflag:s2] =	dma.local @!p0 [hbm:s0], s1  }
0x43: {  	s0 =	simm.s32 @!p0 $0x1  }
0x44: {  	_ =	swait.ge @!p0 [sflag:s0], s1  }
0x45: {  	s1 =	ssub.s32 @!p0 $0x0, s1;
	[sflag:s0] =	ssyncset.done @!p0 $0x0  }
0x46: {  	[sflag:s0] =	ssyncadd.s32 @!p0 s1  }
0x47: {  	[bflag:$0x3] =	sbarrier.arrive $0xFFFF  }
0x48: {  	_ =	shalt  }

</sc_bundles>
